<compile_context>
chip_gen: v7x
topology: tpu7x:2x2x1
jax: 0.10.2.dev20260603
libtpu: 0.0.44.dev20260713+nightly
codegen_flags: <defaults>
</compile_context>

<pallas_src>
import jax
import jax.numpy as jnp
from jax import lax
from jax.experimental import pallas as pl
from jax.experimental.pallas import tpu as pltpu, tpu_sc as plsc

NUM_NODES = 100000
NUM_TYPES = 119
EMB_DIM = 128

NUM_CORES = 2
NUM_SUBCORES = 16
NUM_WORKERS = NUM_CORES * NUM_SUBCORES
CHUNK = 400
NCHUNKS = NUM_NODES // CHUNK
CHUNKS_PER_WORKER = -(-NCHUNKS // NUM_WORKERS)


def _emb_lookup_body(table_hbm, idx_hbm, out_hbm,
                     table_sh, idx_all, rows0, rows1,
                     sem_i, sem_g, sem_s0, sem_s1):
    wid = lax.axis_index("s") * NUM_CORES + lax.axis_index("c")
    sid = lax.axis_index("s")

    @pl.when(sid == 0)
    def _():
        pltpu.sync_copy(table_hbm, table_sh)

    for j in range(CHUNKS_PER_WORKER):
        c = wid + NUM_WORKERS * j

        @pl.when(c < NCHUNKS)
        def _():
            pltpu.async_copy(idx_hbm.at[pl.ds(c * CHUNK, CHUNK)],
                             idx_all.at[pl.ds(j * CHUNK, CHUNK)], sem_i)
    for j in range(CHUNKS_PER_WORKER):
        c = wid + NUM_WORKERS * j

        @pl.when(c < NCHUNKS)
        def _():
            pltpu.make_async_copy(idx_hbm.at[pl.ds(c * CHUNK, CHUNK)],
                                  idx_all.at[pl.ds(j * CHUNK, CHUNK)],
                                  sem_i).wait()

    plsc.subcore_barrier()

    for j in range(CHUNKS_PER_WORKER):
        c = wid + NUM_WORKERS * j
        rows = rows0 if j % 2 == 0 else rows1
        sem_s = sem_s0 if j % 2 == 0 else sem_s1

        @pl.when(c < NCHUNKS)
        def _():
            if j >= 2:
                pltpu.make_async_copy(
                    rows, out_hbm.at[pl.ds(c * CHUNK, CHUNK)], sem_s).wait()
            pltpu.async_copy(
                table_sh.at[idx_all.at[pl.ds(j * CHUNK, CHUNK)]],
                rows, sem_g).wait()
            pltpu.async_copy(rows, out_hbm.at[pl.ds(c * CHUNK, CHUNK)], sem_s)

    pltpu.make_async_copy(rows0, out_hbm.at[pl.ds(0, CHUNK)], sem_s0).wait()
    pltpu.make_async_copy(rows1, out_hbm.at[pl.ds(0, CHUNK)], sem_s1).wait()


TC_BLOCK = 5000
TC_NBLOCKS = NUM_NODES // TC_BLOCK


def _tc_onehot_body(idx_ref, table_ref, out_ref):
    ids = idx_ref[0, 0, :]
    onehot = (ids[:, None] == lax.broadcasted_iota(
        jnp.int32, (TC_BLOCK, EMB_DIM), 1)).astype(jnp.float32)
    out_ref[...] = jnp.dot(onehot, table_ref[...],
                           preferred_element_type=jnp.float32)


def _tc_gather(idx, emb):
    table_p = jnp.zeros((EMB_DIM, EMB_DIM), jnp.float32).at[:NUM_TYPES].set(emb)
    idx3 = idx.reshape(TC_NBLOCKS, 1, TC_BLOCK)
    return pl.pallas_call(
        _tc_onehot_body,
        grid=(TC_NBLOCKS,),
        in_specs=[
            pl.BlockSpec((1, 1, TC_BLOCK), lambda i: (i, 0, 0)),
            pl.BlockSpec((EMB_DIM, EMB_DIM), lambda i: (0, 0)),
        ],
        out_specs=pl.BlockSpec((TC_BLOCK, EMB_DIM), lambda i: (i, 0)),
        out_shape=jax.ShapeDtypeStruct((NUM_NODES, EMB_DIM), jnp.float32),
    )(idx3, table_p)


def kernel(atomic_numbers, emb):
    idx = atomic_numbers.astype(jnp.int32)
    mesh = plsc.VectorSubcoreMesh(
        core_axis_name="c", subcore_axis_name="s",
        num_cores=NUM_CORES, num_subcores=NUM_SUBCORES)
    out_sc = pl.kernel(
        _emb_lookup_body,
        out_type=jax.ShapeDtypeStruct((NUM_NODES, EMB_DIM), jnp.float32),
        mesh=mesh,
        scratch_types=[
            pltpu.VMEM_SHARED((NUM_TYPES, EMB_DIM), jnp.float32),
            pltpu.VMEM((CHUNK * CHUNKS_PER_WORKER,), jnp.int32),
            pltpu.VMEM((CHUNK, EMB_DIM), jnp.float32),
            pltpu.VMEM((CHUNK, EMB_DIM), jnp.float32),
            pltpu.SemaphoreType.DMA,
            pltpu.SemaphoreType.DMA,
            pltpu.SemaphoreType.DMA,
            pltpu.SemaphoreType.DMA,
        ],
    )(emb, idx)
    out_tc = _tc_gather(idx, emb)
    return (out_sc, out_tc)

# --- scband reference (transcript-rebuilt; emitter-appended) ---
"""Pipeline reference for scband-embedding-block-54932631715994 (READ-ONLY COPY).

The authoritative reference and input builder live on the scoring server;
editing this copy changes nothing except your own understanding.
"""

import jax, jax.numpy as jnp
import numpy as np

NUM_NODES = 100000
NUM_TYPES = 119
EMB_DIM = 128

def setup_inputs(seed: int = 0) -> dict:
    key = jax.random.key(seed)
    k1, k2 = jax.random.split(key)
    atomic_numbers = jax.random.randint(k1, (NUM_NODES,), 0, NUM_TYPES, dtype=jnp.int64 if jax.config.jax_enable_x64 else jnp.int32)
    emb = jax.random.normal(k2, (NUM_TYPES, EMB_DIM), dtype=jnp.float32)
    return {"atomic_numbers": atomic_numbers, "emb": emb}

def reference(atomic_numbers, emb):
    # Faithful translation of Embedding_block.forward:
    # node_attrs = Embedding(119, num_node_attr_feas)(type_numbers)
    # data[NODE_ATTRS_KEY] = node_attrs; if set_features: data[NODE_FEATURES_KEY] = node_attrs
    node_attrs = jnp.take(emb, atomic_numbers, axis=0)
    node_features = node_attrs  # set_features=True writes the same tensor
    return (node_attrs, node_features)

if __name__ == "__main__":
    import jax
    _d = setup_inputs()
    print(jax.jit(kernel)(*tuple(_d.values())))

</pallas_src>

<mosaic_0001>
#map = affine_map<(d0, d1) -> (0, 0)>
#map1 = affine_map<(d0, d1) -> (0)>
module attributes {stable_mosaic.version = 14 : i64} {
  func.func @_emb_lookup_body(%arg0: i32, %arg1: i32, %arg2: memref<119x128xf32, #tpu.memory_space<hbm>>, %arg3: memref<100000xi32, #tpu.memory_space<hbm>>, %arg4: memref<100000x128xf32, #tpu.memory_space<hbm>>, %arg5: memref<119x128xf32, #tpu.memory_space<vmem_shared>>, %arg6: memref<3200xi32, #tpu.memory_space<vmem>>, %arg7: memref<400x128xf32, #tpu.memory_space<vmem>>, %arg8: memref<400x128xf32, #tpu.memory_space<vmem>>, %arg9: memref<!tpu.dma_semaphore, #tpu.memory_space<semaphore_mem>>, %arg10: memref<!tpu.dma_semaphore, #tpu.memory_space<semaphore_mem>>, %arg11: memref<!tpu.dma_semaphore, #tpu.memory_space<semaphore_mem>>, %arg12: memref<!tpu.dma_semaphore, #tpu.memory_space<semaphore_mem>>) attributes {dimension_semantics = [#tpu.dimension_semantics<core_parallel>, #tpu.dimension_semantics<subcore_parallel>], iteration_bounds = array<i64: 2, 16>, scalar_prefetch = 0 : i64, scratch_operands = 8 : i64, tpu.core_type = #tpu.core_type<sc_vector_subcore>, window_params = [{transform_indices = #map}, {transform_indices = #map1}, {transform_indices = #map}]} {
    %mul3A = arith.constant 2 : i32
    %mul3A_0 = arith.muli %arg1, %mul3A : i32
    %add3A = arith.addi %mul3A_0, %arg0 : i32
    %eq3A = arith.constant 0 : i32
    %eq3A_1 = arith.cmpi eq, %arg1, %eq3A : i32
    %convert_element_type3A = arith.extui %eq3A_1 : i1 to i32
    %cond3A = arith.constant 0 : i32
    %cond3A_2 = arith.cmpi ne, %convert_element_type3A, %cond3A : i32
    scf.if %cond3A_2 {
      "tpu.region"() ({
        %run_scoped3A = tpu.sem_alloc : memref<!tpu.dma_semaphore, #tpu.memory_space<semaphore_mem>>
        tpu.enqueue_dma source(%arg2 : memref<119x128xf32, #tpu.memory_space<hbm>>) target(%arg5 : memref<119x128xf32, #tpu.memory_space<vmem_shared>>) target_semaphore(%run_scoped3A : memref<!tpu.dma_semaphore, #tpu.memory_space<semaphore_mem>>)
        tpu.wait_dma2 semaphore(%run_scoped3A : memref<!tpu.dma_semaphore, #tpu.memory_space<semaphore_mem>>) src(%arg2 : memref<119x128xf32, #tpu.memory_space<hbm>>) dst(%arg5 : memref<119x128xf32, #tpu.memory_space<vmem_shared>>)
        tpu.yield
      }) : () -> ()
    } else {
    }
    %add3A_3 = arith.constant 0 : i32
    %add3A_4 = arith.addi %add3A, %add3A_3 : i32
    %lt3A = arith.constant 250 : i32
    %lt3A_5 = arith.cmpi slt, %add3A_4, %lt3A : i32
    %convert_element_type3A_6 = arith.extui %lt3A_5 : i1 to i32
    %cond3A_7 = arith.constant 0 : i32
    %cond3A_8 = arith.cmpi ne, %convert_element_type3A_6, %cond3A_7 : i32
    scf.if %cond3A_8 {
      %mul3A_181 = arith.constant 400 : i32
      %mul3A_182 = arith.muli %add3A_4, %mul3A_181 : i32
      %dma_start3A = arith.constant 0 : i32
      %dma_start3A_183 = tpu.memref_slice %arg6[%dma_start3A] : memref<3200xi32, #tpu.memory_space<vmem>> -> memref<400xi32, #tpu.memory_space<vmem>>
      %dma_start3A_184 = tpu.memref_slice %arg3[%mul3A_182] : memref<100000xi32, #tpu.memory_space<hbm>> -> memref<400xi32, #tpu.memory_space<hbm>>
      %dma_start3A_185 = arith.constant 0 : i32
      %dma_start3A_186 = tpu.memref_slice %arg6[%dma_start3A_185] : memref<3200xi32, #tpu.memory_space<vmem>> -> memref<400xi32, #tpu.memory_space<vmem>>
      %dma_start3A_187 = tpu.memref_slice %arg3[%mul3A_182] : memref<100000xi32, #tpu.memory_space<hbm>> -> memref<400xi32, #tpu.memory_space<hbm>>
      tpu.enqueue_dma source(%dma_start3A_187 : memref<400xi32, #tpu.memory_space<hbm>>) target(%dma_start3A_186 : memref<400xi32, #tpu.memory_space<vmem>>) target_semaphore(%arg9 : memref<!tpu.dma_semaphore, #tpu.memory_space<semaphore_mem>>)
    } else {
    }
    %add3A_9 = arith.constant 32 : i32
    %add3A_10 = arith.addi %add3A, %add3A_9 : i32
    %lt3A_11 = arith.constant 250 : i32
    %lt3A_12 = arith.cmpi slt, %add3A_10, %lt3A_11 : i32
    %convert_element_type3A_13 = arith.extui %lt3A_12 : i1 to i32
    %cond3A_14 = arith.constant 0 : i32
    %cond3A_15 = arith.cmpi ne, %convert_element_type3A_13, %cond3A_14 : i32
    scf.if %cond3A_15 {
      %mul3A_181 = arith.constant 400 : i32
      %mul3A_182 = arith.muli %add3A_10, %mul3A_181 : i32
      %dma_start3A = arith.constant 400 : i32
      %dma_start3A_183 = tpu.memref_slice %arg6[%dma_start3A] : memref<3200xi32, #tpu.memory_space<vmem>> -> memref<400xi32, #tpu.memory_space<vmem>>
      %dma_start3A_184 = tpu.memref_slice %arg3[%mul3A_182] : memref<100000xi32, #tpu.memory_space<hbm>> -> memref<400xi32, #tpu.memory_space<hbm>>
      %dma_start3A_185 = arith.constant 400 : i32
      %dma_start3A_186 = tpu.memref_slice %arg6[%dma_start3A_185] : memref<3200xi32, #tpu.memory_space<vmem>> -> memref<400xi32, #tpu.memory_space<vmem>>
      %dma_start3A_187 = tpu.memref_slice %arg3[%mul3A_182] : memref<100000xi32, #tpu.memory_space<hbm>> -> memref<400xi32, #tpu.memory_space<hbm>>
      tpu.enqueue_dma source(%dma_start3A_187 : memref<400xi32, #tpu.memory_space<hbm>>) target(%dma_start3A_186 : memref<400xi32, #tpu.memory_space<vmem>>) target_semaphore(%arg9 : memref<!tpu.dma_semaphore, #tpu.memory_space<semaphore_mem>>)
    } else {
    }
    %add3A_16 = arith.constant 64 : i32
    %add3A_17 = arith.addi %add3A, %add3A_16 : i32
    %lt3A_18 = arith.constant 250 : i32
    %lt3A_19 = arith.cmpi slt, %add3A_17, %lt3A_18 : i32
    %convert_element_type3A_20 = arith.extui %lt3A_19 : i1 to i32
    %cond3A_21 = arith.constant 0 : i32
    %cond3A_22 = arith.cmpi ne, %convert_element_type3A_20, %cond3A_21 : i32
    scf.if %cond3A_22 {
      %mul3A_181 = arith.constant 400 : i32
      %mul3A_182 = arith.muli %add3A_17, %mul3A_181 : i32
      %dma_start3A = arith.constant 800 : i32
      %dma_start3A_183 = tpu.memref_slice %arg6[%dma_start3A] : memref<3200xi32, #tpu.memory_space<vmem>> -> memref<400xi32, #tpu.memory_space<vmem>>
      %dma_start3A_184 = tpu.memref_slice %arg3[%mul3A_182] : memref<100000xi32, #tpu.memory_space<hbm>> -> memref<400xi32, #tpu.memory_space<hbm>>
      %dma_start3A_185 = arith.constant 800 : i32
      %dma_start3A_186 = tpu.memref_slice %arg6[%dma_start3A_185] : memref<3200xi32, #tpu.memory_space<vmem>> -> memref<400xi32, #tpu.memory_space<vmem>>
      %dma_start3A_187 = tpu.memref_slice %arg3[%mul3A_182] : memref<100000xi32, #tpu.memory_space<hbm>> -> memref<400xi32, #tpu.memory_space<hbm>>
      tpu.enqueue_dma source(%dma_start3A_187 : memref<400xi32, #tpu.memory_space<hbm>>) target(%dma_start3A_186 : memref<400xi32, #tpu.memory_space<vmem>>) target_semaphore(%arg9 : memref<!tpu.dma_semaphore, #tpu.memory_space<semaphore_mem>>)
    } else {
    }
    %add3A_23 = arith.constant 96 : i32
    %add3A_24 = arith.addi %add3A, %add3A_23 : i32
    %lt3A_25 = arith.constant 250 : i32
    %lt3A_26 = arith.cmpi slt, %add3A_24, %lt3A_25 : i32
    %convert_element_type3A_27 = arith.extui %lt3A_26 : i1 to i32
    %cond3A_28 = arith.constant 0 : i32
    %cond3A_29 = arith.cmpi ne, %convert_element_type3A_27, %cond3A_28 : i32
    scf.if %cond3A_29 {
      %mul3A_181 = arith.constant 400 : i32
      %mul3A_182 = arith.muli %add3A_24, %mul3A_181 : i32
      %dma_start3A = arith.constant 1200 : i32
      %dma_start3A_183 = tpu.memref_slice %arg6[%dma_start3A] : memref<3200xi32, #tpu.memory_space<vmem>> -> memref<400xi32, #tpu.memory_space<vmem>>
      %dma_start3A_184 = tpu.memref_slice %arg3[%mul3A_182] : memref<100000xi32, #tpu.memory_space<hbm>> -> memref<400xi32, #tpu.memory_space<hbm>>
      %dma_start3A_185 = arith.constant 1200 : i32
      %dma_start3A_186 = tpu.memref_slice %arg6[%dma_start3A_185] : memref<3200xi32, #tpu.memory_space<vmem>> -> memref<400xi32, #tpu.memory_space<vmem>>
      %dma_start3A_187 = tpu.memref_slice %arg3[%mul3A_182] : memref<100000xi32, #tpu.memory_space<hbm>> -> memref<400xi32, #tpu.memory_space<hbm>>
      tpu.enqueue_dma source(%dma_start3A_187 : memref<400xi32, #tpu.memory_space<hbm>>) target(%dma_start3A_186 : memref<400xi32, #tpu.memory_space<vmem>>) target_semaphore(%arg9 : memref<!tpu.dma_semaphore, #tpu.memory_space<semaphore_mem>>)
    } else {
    }
    %add3A_30 = arith.constant 128 : i32
    %add3A_31 = arith.addi %add3A, %add3A_30 : i32
    %lt3A_32 = arith.constant 250 : i32
    %lt3A_33 = arith.cmpi slt, %add3A_31, %lt3A_32 : i32
    %convert_element_type3A_34 = arith.extui %lt3A_33 : i1 to i32
    %cond3A_35 = arith.constant 0 : i32
    %cond3A_36 = arith.cmpi ne, %convert_element_type3A_34, %cond3A_35 : i32
    scf.if %cond3A_36 {
      %mul3A_181 = arith.constant 400 : i32
      %mul3A_182 = arith.muli %add3A_31, %mul3A_181 : i32
      %dma_start3A = arith.constant 1600 : i32
      %dma_start3A_183 = tpu.memref_slice %arg6[%dma_start3A] : memref<3200xi32, #tpu.memory_space<vmem>> -> memref<400xi32, #tpu.memory_space<vmem>>
      %dma_start3A_184 = tpu.memref_slice %arg3[%mul3A_182] : memref<100000xi32, #tpu.memory_space<hbm>> -> memref<400xi32, #tpu.memory_space<hbm>>
      %dma_start3A_185 = arith.constant 1600 : i32
      %dma_start3A_186 = tpu.memref_slice %arg6[%dma_start3A_185] : memref<3200xi32, #tpu.memory_space<vmem>> -> memref<400xi32, #tpu.memory_space<vmem>>
      %dma_start3A_187 = tpu.memref_slice %arg3[%mul3A_182] : memref<100000xi32, #tpu.memory_space<hbm>> -> memref<400xi32, #tpu.memory_space<hbm>>
      tpu.enqueue_dma source(%dma_start3A_187 : memref<400xi32, #tpu.memory_space<hbm>>) target(%dma_start3A_186 : memref<400xi32, #tpu.memory_space<vmem>>) target_semaphore(%arg9 : memref<!tpu.dma_semaphore, #tpu.memory_space<semaphore_mem>>)
    } else {
    }
    %add3A_37 = arith.constant 160 : i32
    %add3A_38 = arith.addi %add3A, %add3A_37 : i32
    %lt3A_39 = arith.constant 250 : i32
    %lt3A_40 = arith.cmpi slt, %add3A_38, %lt3A_39 : i32
    %convert_element_type3A_41 = arith.extui %lt3A_40 : i1 to i32
    %cond3A_42 = arith.constant 0 : i32
    %cond3A_43 = arith.cmpi ne, %convert_element_type3A_41, %cond3A_42 : i32
    scf.if %cond3A_43 {
      %mul3A_181 = arith.constant 400 : i32
      %mul3A_182 = arith.muli %add3A_38, %mul3A_181 : i32
      %dma_start3A = arith.constant 2000 : i32
      %dma_start3A_183 = tpu.memref_slice %arg6[%dma_start3A] : memref<3200xi32, #tpu.memory_space<vmem>> -> memref<400xi32, #tpu.memory_space<vmem>>
      %dma_start3A_184 = tpu.memref_slice %arg3[%mul3A_182] : memref<100000xi32, #tpu.memory_space<hbm>> -> memref<400xi32, #tpu.memory_space<hbm>>
      %dma_start3A_185 = arith.constant 2000 : i32
      %dma_start3A_186 = tpu.memref_slice %arg6[%dma_start3A_185] : memref<3200xi32, #tpu.memory_space<vmem>> -> memref<400xi32, #tpu.memory_space<vmem>>
      %dma_start3A_187 = tpu.memref_slice %arg3[%mul3A_182] : memref<100000xi32, #tpu.memory_space<hbm>> -> memref<400xi32, #tpu.memory_space<hbm>>
      tpu.enqueue_dma source(%dma_start3A_187 : memref<400xi32, #tpu.memory_space<hbm>>) target(%dma_start3A_186 : memref<400xi32, #tpu.memory_space<vmem>>) target_semaphore(%arg9 : memref<!tpu.dma_semaphore, #tpu.memory_space<semaphore_mem>>)
    } else {
    }
    %add3A_44 = arith.constant 192 : i32
    %add3A_45 = arith.addi %add3A, %add3A_44 : i32
    %lt3A_46 = arith.constant 250 : i32
    %lt3A_47 = arith.cmpi slt, %add3A_45, %lt3A_46 : i32
    %convert_element_type3A_48 = arith.extui %lt3A_47 : i1 to i32
    %cond3A_49 = arith.constant 0 : i32
    %cond3A_50 = arith.cmpi ne, %convert_element_type3A_48, %cond3A_49 : i32
    scf.if %cond3A_50 {
      %mul3A_181 = arith.constant 400 : i32
      %mul3A_182 = arith.muli %add3A_45, %mul3A_181 : i32
      %dma_start3A = arith.constant 2400 : i32
      %dma_start3A_183 = tpu.memref_slice %arg6[%dma_start3A] : memref<3200xi32, #tpu.memory_space<vmem>> -> memref<400xi32, #tpu.memory_space<vmem>>
      %dma_start3A_184 = tpu.memref_slice %arg3[%mul3A_182] : memref<100000xi32, #tpu.memory_space<hbm>> -> memref<400xi32, #tpu.memory_space<hbm>>
      %dma_start3A_185 = arith.constant 2400 : i32
      %dma_start3A_186 = tpu.memref_slice %arg6[%dma_start3A_185] : memref<3200xi32, #tpu.memory_space<vmem>> -> memref<400xi32, #tpu.memory_space<vmem>>
      %dma_start3A_187 = tpu.memref_slice %arg3[%mul3A_182] : memref<100000xi32, #tpu.memory_space<hbm>> -> memref<400xi32, #tpu.memory_space<hbm>>
      tpu.enqueue_dma source(%dma_start3A_187 : memref<400xi32, #tpu.memory_space<hbm>>) target(%dma_start3A_186 : memref<400xi32, #tpu.memory_space<vmem>>) target_semaphore(%arg9 : memref<!tpu.dma_semaphore, #tpu.memory_space<semaphore_mem>>)
    } else {
    }
    %add3A_51 = arith.constant 224 : i32
    %add3A_52 = arith.addi %add3A, %add3A_51 : i32
    %lt3A_53 = arith.constant 250 : i32
    %lt3A_54 = arith.cmpi slt, %add3A_52, %lt3A_53 : i32
    %convert_element_type3A_55 = arith.extui %lt3A_54 : i1 to i32
    %cond3A_56 = arith.constant 0 : i32
    %cond3A_57 = arith.cmpi ne, %convert_element_type3A_55, %cond3A_56 : i32
    scf.if %cond3A_57 {
      %mul3A_181 = arith.constant 400 : i32
      %mul3A_182 = arith.muli %add3A_52, %mul3A_181 : i32
      %dma_start3A = arith.constant 2800 : i32
      %dma_start3A_183 = tpu.memref_slice %arg6[%dma_start3A] : memref<3200xi32, #tpu.memory_space<vmem>> -> memref<400xi32, #tpu.memory_space<vmem>>
      %dma_start3A_184 = tpu.memref_slice %arg3[%mul3A_182] : memref<100000xi32, #tpu.memory_space<hbm>> -> memref<400xi32, #tpu.memory_space<hbm>>
      %dma_start3A_185 = arith.constant 2800 : i32
      %dma_start3A_186 = tpu.memref_slice %arg6[%dma_start3A_185] : memref<3200xi32, #tpu.memory_space<vmem>> -> memref<400xi32, #tpu.memory_space<vmem>>
      %dma_start3A_187 = tpu.memref_slice %arg3[%mul3A_182] : memref<100000xi32, #tpu.memory_space<hbm>> -> memref<400xi32, #tpu.memory_space<hbm>>
      tpu.enqueue_dma source(%dma_start3A_187 : memref<400xi32, #tpu.memory_space<hbm>>) target(%dma_start3A_186 : memref<400xi32, #tpu.memory_space<vmem>>) target_semaphore(%arg9 : memref<!tpu.dma_semaphore, #tpu.memory_space<semaphore_mem>>)
    } else {
    }
    %add3A_58 = arith.constant 0 : i32
    %add3A_59 = arith.addi %add3A, %add3A_58 : i32
    %lt3A_60 = arith.constant 250 : i32
    %lt3A_61 = arith.cmpi slt, %add3A_59, %lt3A_60 : i32
    %convert_element_type3A_62 = arith.extui %lt3A_61 : i1 to i32
    %cond3A_63 = arith.constant 0 : i32
    %cond3A_64 = arith.cmpi ne, %convert_element_type3A_62, %cond3A_63 : i32
    scf.if %cond3A_64 {
      %mul3A_181 = arith.constant 400 : i32
      %mul3A_182 = arith.muli %add3A_59, %mul3A_181 : i32
      %dma_wait3A_183 = arith.constant 0 : i32
      %dma_wait3A_184 = tpu.memref_slice %arg6[%dma_wait3A_183] : memref<3200xi32, #tpu.memory_space<vmem>> -> memref<400xi32, #tpu.memory_space<vmem>>
      %dma_wait3A_185 = tpu.memref_slice %arg3[%mul3A_182] : memref<100000xi32, #tpu.memory_space<hbm>> -> memref<400xi32, #tpu.memory_space<hbm>>
      %dma_wait3A_186 = arith.constant 0 : i32
      %dma_wait3A_187 = tpu.memref_slice %arg6[%dma_wait3A_186] : memref<3200xi32, #tpu.memory_space<vmem>> -> memref<400xi32, #tpu.memory_space<vmem>>
      %dma_wait3A_188 = tpu.memref_slice %arg3[%mul3A_182] : memref<100000xi32, #tpu.memory_space<hbm>> -> memref<400xi32, #tpu.memory_space<hbm>>
      tpu.wait_dma2 semaphore(%arg9 : memref<!tpu.dma_semaphore, #tpu.memory_space<semaphore_mem>>) src(%dma_wait3A_188 : memref<400xi32, #tpu.memory_space<hbm>>) dst(%dma_wait3A_187 : memref<400xi32, #tpu.memory_space<vmem>>)
    } else {
    }
    %add3A_65 = arith.constant 32 : i32
    %add3A_66 = arith.addi %add3A, %add3A_65 : i32
    %lt3A_67 = arith.constant 250 : i32
    %lt3A_68 = arith.cmpi slt, %add3A_66, %lt3A_67 : i32
    %convert_element_type3A_69 = arith.extui %lt3A_68 : i1 to i32
    %cond3A_70 = arith.constant 0 : i32
    %cond3A_71 = arith.cmpi ne, %convert_element_type3A_69, %cond3A_70 : i32
    scf.if %cond3A_71 {
      %mul3A_181 = arith.constant 400 : i32
      %mul3A_182 = arith.muli %add3A_66, %mul3A_181 : i32
      %dma_wait3A_183 = arith.constant 400 : i32
      %dma_wait3A_184 = tpu.memref_slice %arg6[%dma_wait3A_183] : memref<3200xi32, #tpu.memory_space<vmem>> -> memref<400xi32, #tpu.memory_space<vmem>>
      %dma_wait3A_185 = tpu.memref_slice %arg3[%mul3A_182] : memref<100000xi32, #tpu.memory_space<hbm>> -> memref<400xi32, #tpu.memory_space<hbm>>
      %dma_wait3A_186 = arith.constant 400 : i32
      %dma_wait3A_187 = tpu.memref_slice %arg6[%dma_wait3A_186] : memref<3200xi32, #tpu.memory_space<vmem>> -> memref<400xi32, #tpu.memory_space<vmem>>
      %dma_wait3A_188 = tpu.memref_slice %arg3[%mul3A_182] : memref<100000xi32, #tpu.memory_space<hbm>> -> memref<400xi32, #tpu.memory_space<hbm>>
      tpu.wait_dma2 semaphore(%arg9 : memref<!tpu.dma_semaphore, #tpu.memory_space<semaphore_mem>>) src(%dma_wait3A_188 : memref<400xi32, #tpu.memory_space<hbm>>) dst(%dma_wait3A_187 : memref<400xi32, #tpu.memory_space<vmem>>)
    } else {
    }
    %add3A_72 = arith.constant 64 : i32
    %add3A_73 = arith.addi %add3A, %add3A_72 : i32
    %lt3A_74 = arith.constant 250 : i32
    %lt3A_75 = arith.cmpi slt, %add3A_73, %lt3A_74 : i32
    %convert_element_type3A_76 = arith.extui %lt3A_75 : i1 to i32
    %cond3A_77 = arith.constant 0 : i32
    %cond3A_78 = arith.cmpi ne, %convert_element_type3A_76, %cond3A_77 : i32
    scf.if %cond3A_78 {
      %mul3A_181 = arith.constant 400 : i32
      %mul3A_182 = arith.muli %add3A_73, %mul3A_181 : i32
      %dma_wait3A_183 = arith.constant 800 : i32
      %dma_wait3A_184 = tpu.memref_slice %arg6[%dma_wait3A_183] : memref<3200xi32, #tpu.memory_space<vmem>> -> memref<400xi32, #tpu.memory_space<vmem>>
      %dma_wait3A_185 = tpu.memref_slice %arg3[%mul3A_182] : memref<100000xi32, #tpu.memory_space<hbm>> -> memref<400xi32, #tpu.memory_space<hbm>>
      %dma_wait3A_186 = arith.constant 800 : i32
      %dma_wait3A_187 = tpu.memref_slice %arg6[%dma_wait3A_186] : memref<3200xi32, #tpu.memory_space<vmem>> -> memref<400xi32, #tpu.memory_space<vmem>>
      %dma_wait3A_188 = tpu.memref_slice %arg3[%mul3A_182] : memref<100000xi32, #tpu.memory_space<hbm>> -> memref<400xi32, #tpu.memory_space<hbm>>
      tpu.wait_dma2 semaphore(%arg9 : memref<!tpu.dma_semaphore, #tpu.memory_space<semaphore_mem>>) src(%dma_wait3A_188 : memref<400xi32, #tpu.memory_space<hbm>>) dst(%dma_wait3A_187 : memref<400xi32, #tpu.memory_space<vmem>>)
    } else {
    }
    %add3A_79 = arith.constant 96 : i32
    %add3A_80 = arith.addi %add3A, %add3A_79 : i32
    %lt3A_81 = arith.constant 250 : i32
    %lt3A_82 = arith.cmpi slt, %add3A_80, %lt3A_81 : i32
    %convert_element_type3A_83 = arith.extui %lt3A_82 : i1 to i32
    %cond3A_84 = arith.constant 0 : i32
    %cond3A_85 = arith.cmpi ne, %convert_element_type3A_83, %cond3A_84 : i32
    scf.if %cond3A_85 {
      %mul3A_181 = arith.constant 400 : i32
      %mul3A_182 = arith.muli %add3A_80, %mul3A_181 : i32
      %dma_wait3A_183 = arith.constant 1200 : i32
      %dma_wait3A_184 = tpu.memref_slice %arg6[%dma_wait3A_183] : memref<3200xi32, #tpu.memory_space<vmem>> -> memref<400xi32, #tpu.memory_space<vmem>>
      %dma_wait3A_185 = tpu.memref_slice %arg3[%mul3A_182] : memref<100000xi32, #tpu.memory_space<hbm>> -> memref<400xi32, #tpu.memory_space<hbm>>
      %dma_wait3A_186 = arith.constant 1200 : i32
      %dma_wait3A_187 = tpu.memref_slice %arg6[%dma_wait3A_186] : memref<3200xi32, #tpu.memory_space<vmem>> -> memref<400xi32, #tpu.memory_space<vmem>>
      %dma_wait3A_188 = tpu.memref_slice %arg3[%mul3A_182] : memref<100000xi32, #tpu.memory_space<hbm>> -> memref<400xi32, #tpu.memory_space<hbm>>
      tpu.wait_dma2 semaphore(%arg9 : memref<!tpu.dma_semaphore, #tpu.memory_space<semaphore_mem>>) src(%dma_wait3A_188 : memref<400xi32, #tpu.memory_space<hbm>>) dst(%dma_wait3A_187 : memref<400xi32, #tpu.memory_space<vmem>>)
    } else {
    }
    %add3A_86 = arith.constant 128 : i32
    %add3A_87 = arith.addi %add3A, %add3A_86 : i32
    %lt3A_88 = arith.constant 250 : i32
    %lt3A_89 = arith.cmpi slt, %add3A_87, %lt3A_88 : i32
    %convert_element_type3A_90 = arith.extui %lt3A_89 : i1 to i32
    %cond3A_91 = arith.constant 0 : i32
    %cond3A_92 = arith.cmpi ne, %convert_element_type3A_90, %cond3A_91 : i32
    scf.if %cond3A_92 {
      %mul3A_181 = arith.constant 400 : i32
      %mul3A_182 = arith.muli %add3A_87, %mul3A_181 : i32
      %dma_wait3A_183 = arith.constant 1600 : i32
      %dma_wait3A_184 = tpu.memref_slice %arg6[%dma_wait3A_183] : memref<3200xi32, #tpu.memory_space<vmem>> -> memref<400xi32, #tpu.memory_space<vmem>>
      %dma_wait3A_185 = tpu.memref_slice %arg3[%mul3A_182] : memref<100000xi32, #tpu.memory_space<hbm>> -> memref<400xi32, #tpu.memory_space<hbm>>
      %dma_wait3A_186 = arith.constant 1600 : i32
      %dma_wait3A_187 = tpu.memref_slice %arg6[%dma_wait3A_186] : memref<3200xi32, #tpu.memory_space<vmem>> -> memref<400xi32, #tpu.memory_space<vmem>>
      %dma_wait3A_188 = tpu.memref_slice %arg3[%mul3A_182] : memref<100000xi32, #tpu.memory_space<hbm>> -> memref<400xi32, #tpu.memory_space<hbm>>
      tpu.wait_dma2 semaphore(%arg9 : memref<!tpu.dma_semaphore, #tpu.memory_space<semaphore_mem>>) src(%dma_wait3A_188 : memref<400xi32, #tpu.memory_space<hbm>>) dst(%dma_wait3A_187 : memref<400xi32, #tpu.memory_space<vmem>>)
    } else {
    }
    %add3A_93 = arith.constant 160 : i32
    %add3A_94 = arith.addi %add3A, %add3A_93 : i32
    %lt3A_95 = arith.constant 250 : i32
    %lt3A_96 = arith.cmpi slt, %add3A_94, %lt3A_95 : i32
    %convert_element_type3A_97 = arith.extui %lt3A_96 : i1 to i32
    %cond3A_98 = arith.constant 0 : i32
    %cond3A_99 = arith.cmpi ne, %convert_element_type3A_97, %cond3A_98 : i32
    scf.if %cond3A_99 {
      %mul3A_181 = arith.constant 400 : i32
      %mul3A_182 = arith.muli %add3A_94, %mul3A_181 : i32
      %dma_wait3A_183 = arith.constant 2000 : i32
      %dma_wait3A_184 = tpu.memref_slice %arg6[%dma_wait3A_183] : memref<3200xi32, #tpu.memory_space<vmem>> -> memref<400xi32, #tpu.memory_space<vmem>>
      %dma_wait3A_185 = tpu.memref_slice %arg3[%mul3A_182] : memref<100000xi32, #tpu.memory_space<hbm>> -> memref<400xi32, #tpu.memory_space<hbm>>
      %dma_wait3A_186 = arith.constant 2000 : i32
      %dma_wait3A_187 = tpu.memref_slice %arg6[%dma_wait3A_186] : memref<3200xi32, #tpu.memory_space<vmem>> -> memref<400xi32, #tpu.memory_space<vmem>>
      %dma_wait3A_188 = tpu.memref_slice %arg3[%mul3A_182] : memref<100000xi32, #tpu.memory_space<hbm>> -> memref<400xi32, #tpu.memory_space<hbm>>
      tpu.wait_dma2 semaphore(%arg9 : memref<!tpu.dma_semaphore, #tpu.memory_space<semaphore_mem>>) src(%dma_wait3A_188 : memref<400xi32, #tpu.memory_space<hbm>>) dst(%dma_wait3A_187 : memref<400xi32, #tpu.memory_space<vmem>>)
    } else {
    }
    %add3A_100 = arith.constant 192 : i32
    %add3A_101 = arith.addi %add3A, %add3A_100 : i32
    %lt3A_102 = arith.constant 250 : i32
    %lt3A_103 = arith.cmpi slt, %add3A_101, %lt3A_102 : i32
    %convert_element_type3A_104 = arith.extui %lt3A_103 : i1 to i32
    %cond3A_105 = arith.constant 0 : i32
    %cond3A_106 = arith.cmpi ne, %convert_element_type3A_104, %cond3A_105 : i32
    scf.if %cond3A_106 {
      %mul3A_181 = arith.constant 400 : i32
      %mul3A_182 = arith.muli %add3A_101, %mul3A_181 : i32
      %dma_wait3A_183 = arith.constant 2400 : i32
      %dma_wait3A_184 = tpu.memref_slice %arg6[%dma_wait3A_183] : memref<3200xi32, #tpu.memory_space<vmem>> -> memref<400xi32, #tpu.memory_space<vmem>>
      %dma_wait3A_185 = tpu.memref_slice %arg3[%mul3A_182] : memref<100000xi32, #tpu.memory_space<hbm>> -> memref<400xi32, #tpu.memory_space<hbm>>
      %dma_wait3A_186 = arith.constant 2400 : i32
      %dma_wait3A_187 = tpu.memref_slice %arg6[%dma_wait3A_186] : memref<3200xi32, #tpu.memory_space<vmem>> -> memref<400xi32, #tpu.memory_space<vmem>>
      %dma_wait3A_188 = tpu.memref_slice %arg3[%mul3A_182] : memref<100000xi32, #tpu.memory_space<hbm>> -> memref<400xi32, #tpu.memory_space<hbm>>
      tpu.wait_dma2 semaphore(%arg9 : memref<!tpu.dma_semaphore, #tpu.memory_space<semaphore_mem>>) src(%dma_wait3A_188 : memref<400xi32, #tpu.memory_space<hbm>>) dst(%dma_wait3A_187 : memref<400xi32, #tpu.memory_space<vmem>>)
    } else {
    }
    %add3A_107 = arith.constant 224 : i32
    %add3A_108 = arith.addi %add3A, %add3A_107 : i32
    %lt3A_109 = arith.constant 250 : i32
    %lt3A_110 = arith.cmpi slt, %add3A_108, %lt3A_109 : i32
    %convert_element_type3A_111 = arith.extui %lt3A_110 : i1 to i32
    %cond3A_112 = arith.constant 0 : i32
    %cond3A_113 = arith.cmpi ne, %convert_element_type3A_111, %cond3A_112 : i32
    scf.if %cond3A_113 {
      %mul3A_181 = arith.constant 400 : i32
      %mul3A_182 = arith.muli %add3A_108, %mul3A_181 : i32
      %dma_wait3A_183 = arith.constant 2800 : i32
      %dma_wait3A_184 = tpu.memref_slice %arg6[%dma_wait3A_183] : memref<3200xi32, #tpu.memory_space<vmem>> -> memref<400xi32, #tpu.memory_space<vmem>>
      %dma_wait3A_185 = tpu.memref_slice %arg3[%mul3A_182] : memref<100000xi32, #tpu.memory_space<hbm>> -> memref<400xi32, #tpu.memory_space<hbm>>
      %dma_wait3A_186 = arith.constant 2800 : i32
      %dma_wait3A_187 = tpu.memref_slice %arg6[%dma_wait3A_186] : memref<3200xi32, #tpu.memory_space<vmem>> -> memref<400xi32, #tpu.memory_space<vmem>>
      %dma_wait3A_188 = tpu.memref_slice %arg3[%mul3A_182] : memref<100000xi32, #tpu.memory_space<hbm>> -> memref<400xi32, #tpu.memory_space<hbm>>
      tpu.wait_dma2 semaphore(%arg9 : memref<!tpu.dma_semaphore, #tpu.memory_space<semaphore_mem>>) src(%dma_wait3A_188 : memref<400xi32, #tpu.memory_space<hbm>>) dst(%dma_wait3A_187 : memref<400xi32, #tpu.memory_space<vmem>>)
    } else {
    }
    %barrier3A = arith.constant 0 : index
    tpu.barrier barrier_id(%barrier3A)
    %add3A_114 = arith.constant 0 : i32
    %add3A_115 = arith.addi %add3A, %add3A_114 : i32
    %lt3A_116 = arith.constant 250 : i32
    %lt3A_117 = arith.cmpi slt, %add3A_115, %lt3A_116 : i32
    %convert_element_type3A_118 = arith.extui %lt3A_117 : i1 to i32
    %cond3A_119 = arith.constant 0 : i32
    %cond3A_120 = arith.cmpi ne, %convert_element_type3A_118, %cond3A_119 : i32
    scf.if %cond3A_120 {
      %dma_start3A = arith.constant 0 : i32
      %dma_start3A_181 = tpu.memref_slice %arg6[%dma_start3A] : memref<3200xi32, #tpu.memory_space<vmem>> -> memref<400xi32, #tpu.memory_space<vmem>>
      %dma_start3A_182 = arith.constant 0 : i32
      %dma_start3A_183 = arith.constant 0 : i32
      %dma_start3A_184 = tpu.memref_slice %arg5[%dma_start3A_182, %dma_start3A_183] : memref<119x128xf32, #tpu.memory_space<vmem_shared>> -> memref<119x128xf32, #tpu.memory_space<vmem_shared>>
      tpu.enqueue_indirect_dma source(%dma_start3A_184 : memref<119x128xf32, #tpu.memory_space<vmem_shared>>) target(%arg7 : memref<400x128xf32, #tpu.memory_space<vmem>>) offsets(%dma_start3A_181 : memref<400xi32, #tpu.memory_space<vmem>>) semaphore(%arg10 : memref<!tpu.dma_semaphore, #tpu.memory_space<semaphore_mem>>)
      %dma_wait3A_185 = arith.constant 0 : i32
      %dma_wait3A_186 = tpu.memref_slice %arg6[%dma_wait3A_185] : memref<3200xi32, #tpu.memory_space<vmem>> -> memref<400xi32, #tpu.memory_space<vmem>>
      %dma_wait3A_187 = arith.constant 0 : i32
      %dma_wait3A_188 = arith.constant 0 : i32
      %dma_wait3A_189 = tpu.memref_slice %arg5[%dma_wait3A_187, %dma_wait3A_188] : memref<119x128xf32, #tpu.memory_space<vmem_shared>> -> memref<119x128xf32, #tpu.memory_space<vmem_shared>>
      tpu.wait_indirect_dma semaphore(%arg10 : memref<!tpu.dma_semaphore, #tpu.memory_space<semaphore_mem>>) src(%dma_wait3A_189 : memref<119x128xf32, #tpu.memory_space<vmem_shared>>) dst(%arg7 : memref<400x128xf32, #tpu.memory_space<vmem>>)
      %mul3A_190 = arith.constant 400 : i32
      %mul3A_191 = arith.muli %add3A_115, %mul3A_190 : i32
      %dma_start3A_192 = arith.constant 0 : i32
      %dma_start3A_193 = tpu.memref_slice %arg4[%mul3A_191, %dma_start3A_192] : memref<100000x128xf32, #tpu.memory_space<hbm>> -> memref<400x128xf32, #tpu.memory_space<hbm>>
      %dma_start3A_194 = arith.constant 0 : i32
      %dma_start3A_195 = tpu.memref_slice %arg4[%mul3A_191, %dma_start3A_194] : memref<100000x128xf32, #tpu.memory_space<hbm>> -> memref<400x128xf32, #tpu.memory_space<hbm>>
      tpu.enqueue_dma source(%arg7 : memref<400x128xf32, #tpu.memory_space<vmem>>) target(%dma_start3A_195 : memref<400x128xf32, #tpu.memory_space<hbm>>) target_semaphore(%arg11 : memref<!tpu.dma_semaphore, #tpu.memory_space<semaphore_mem>>)
    } else {
    }
    %add3A_121 = arith.constant 32 : i32
    %add3A_122 = arith.addi %add3A, %add3A_121 : i32
    %lt3A_123 = arith.constant 250 : i32
    %lt3A_124 = arith.cmpi slt, %add3A_122, %lt3A_123 : i32
    %convert_element_type3A_125 = arith.extui %lt3A_124 : i1 to i32
    %cond3A_126 = arith.constant 0 : i32
    %cond3A_127 = arith.cmpi ne, %convert_element_type3A_125, %cond3A_126 : i32
    scf.if %cond3A_127 {
      %dma_start3A = arith.constant 400 : i32
      %dma_start3A_181 = tpu.memref_slice %arg6[%dma_start3A] : memref<3200xi32, #tpu.memory_space<vmem>> -> memref<400xi32, #tpu.memory_space<vmem>>
      %dma_start3A_182 = arith.constant 0 : i32
      %dma_start3A_183 = arith.constant 0 : i32
      %dma_start3A_184 = tpu.memref_slice %arg5[%dma_start3A_182, %dma_start3A_183] : memref<119x128xf32, #tpu.memory_space<vmem_shared>> -> memref<119x128xf32, #tpu.memory_space<vmem_shared>>
      tpu.enqueue_indirect_dma source(%dma_start3A_184 : memref<119x128xf32, #tpu.memory_space<vmem_shared>>) target(%arg8 : memref<400x128xf32, #tpu.memory_space<vmem>>) offsets(%dma_start3A_181 : memref<400xi32, #tpu.memory_space<vmem>>) semaphore(%arg10 : memref<!tpu.dma_semaphore, #tpu.memory_space<semaphore_mem>>)
      %dma_wait3A_185 = arith.constant 400 : i32
      %dma_wait3A_186 = tpu.memref_slice %arg6[%dma_wait3A_185] : memref<3200xi32, #tpu.memory_space<vmem>> -> memref<400xi32, #tpu.memory_space<vmem>>
      %dma_wait3A_187 = arith.constant 0 : i32
      %dma_wait3A_188 = arith.constant 0 : i32
      %dma_wait3A_189 = tpu.memref_slice %arg5[%dma_wait3A_187, %dma_wait3A_188] : memref<119x128xf32, #tpu.memory_space<vmem_shared>> -> memref<119x128xf32, #tpu.memory_space<vmem_shared>>
      tpu.wait_indirect_dma semaphore(%arg10 : memref<!tpu.dma_semaphore, #tpu.memory_space<semaphore_mem>>) src(%dma_wait3A_189 : memref<119x128xf32, #tpu.memory_space<vmem_shared>>) dst(%arg8 : memref<400x128xf32, #tpu.memory_space<vmem>>)
      %mul3A_190 = arith.constant 400 : i32
      %mul3A_191 = arith.muli %add3A_122, %mul3A_190 : i32
      %dma_start3A_192 = arith.constant 0 : i32
      %dma_start3A_193 = tpu.memref_slice %arg4[%mul3A_191, %dma_start3A_192] : memref<100000x128xf32, #tpu.memory_space<hbm>> -> memref<400x128xf32, #tpu.memory_space<hbm>>
      %dma_start3A_194 = arith.constant 0 : i32
      %dma_start3A_195 = tpu.memref_slice %arg4[%mul3A_191, %dma_start3A_194] : memref<100000x128xf32, #tpu.memory_space<hbm>> -> memref<400x128xf32, #tpu.memory_space<hbm>>
      tpu.enqueue_dma source(%arg8 : memref<400x128xf32, #tpu.memory_space<vmem>>) target(%dma_start3A_195 : memref<400x128xf32, #tpu.memory_space<hbm>>) target_semaphore(%arg12 : memref<!tpu.dma_semaphore, #tpu.memory_space<semaphore_mem>>)
    } else {
    }
    %add3A_128 = arith.constant 64 : i32
    %add3A_129 = arith.addi %add3A, %add3A_128 : i32
    %lt3A_130 = arith.constant 250 : i32
    %lt3A_131 = arith.cmpi slt, %add3A_129, %lt3A_130 : i32
    %convert_element_type3A_132 = arith.extui %lt3A_131 : i1 to i32
    %cond3A_133 = arith.constant 0 : i32
    %cond3A_134 = arith.cmpi ne, %convert_element_type3A_132, %cond3A_133 : i32
    scf.if %cond3A_134 {
      %mul3A_181 = arith.constant 400 : i32
      %mul3A_182 = arith.muli %add3A_129, %mul3A_181 : i32
      %dma_wait3A_183 = arith.constant 0 : i32
      %dma_wait3A_184 = tpu.memref_slice %arg4[%mul3A_182, %dma_wait3A_183] : memref<100000x128xf32, #tpu.memory_space<hbm>> -> memref<400x128xf32, #tpu.memory_space<hbm>>
      %dma_wait3A_185 = arith.constant 0 : i32
      %dma_wait3A_186 = tpu.memref_slice %arg4[%mul3A_182, %dma_wait3A_185] : memref<100000x128xf32, #tpu.memory_space<hbm>> -> memref<400x128xf32, #tpu.memory_space<hbm>>
      tpu.wait_dma2 semaphore(%arg11 : memref<!tpu.dma_semaphore, #tpu.memory_space<semaphore_mem>>) src(%arg7 : memref<400x128xf32, #tpu.memory_space<vmem>>) dst(%dma_wait3A_186 : memref<400x128xf32, #tpu.memory_space<hbm>>)
      %dma_start3A = arith.constant 800 : i32
      %dma_start3A_187 = tpu.memref_slice %arg6[%dma_start3A] : memref<3200xi32, #tpu.memory_space<vmem>> -> memref<400xi32, #tpu.memory_space<vmem>>
      %dma_start3A_188 = arith.constant 0 : i32
      %dma_start3A_189 = arith.constant 0 : i32
      %dma_start3A_190 = tpu.memref_slice %arg5[%dma_start3A_188, %dma_start3A_189] : memref<119x128xf32, #tpu.memory_space<vmem_shared>> -> memref<119x128xf32, #tpu.memory_space<vmem_shared>>
      tpu.enqueue_indirect_dma source(%dma_start3A_190 : memref<119x128xf32, #tpu.memory_space<vmem_shared>>) target(%arg7 : memref<400x128xf32, #tpu.memory_space<vmem>>) offsets(%dma_start3A_187 : memref<400xi32, #tpu.memory_space<vmem>>) semaphore(%arg10 : memref<!tpu.dma_semaphore, #tpu.memory_space<semaphore_mem>>)
      %dma_wait3A_191 = arith.constant 800 : i32
      %dma_wait3A_192 = tpu.memref_slice %arg6[%dma_wait3A_191] : memref<3200xi32, #tpu.memory_space<vmem>> -> memref<400xi32, #tpu.memory_space<vmem>>
      %dma_wait3A_193 = arith.constant 0 : i32
      %dma_wait3A_194 = arith.constant 0 : i32
      %dma_wait3A_195 = tpu.memref_slice %arg5[%dma_wait3A_193, %dma_wait3A_194] : memref<119x128xf32, #tpu.memory_space<vmem_shared>> -> memref<119x128xf32, #tpu.memory_space<vmem_shared>>
      tpu.wait_indirect_dma semaphore(%arg10 : memref<!tpu.dma_semaphore, #tpu.memory_space<semaphore_mem>>) src(%dma_wait3A_195 : memref<119x128xf32, #tpu.memory_space<vmem_shared>>) dst(%arg7 : memref<400x128xf32, #tpu.memory_space<vmem>>)
      %mul3A_196 = arith.constant 400 : i32
      %mul3A_197 = arith.muli %add3A_129, %mul3A_196 : i32
      %dma_start3A_198 = arith.constant 0 : i32
      %dma_start3A_199 = tpu.memref_slice %arg4[%mul3A_197, %dma_start3A_198] : memref<100000x128xf32, #tpu.memory_space<hbm>> -> memref<400x128xf32, #tpu.memory_space<hbm>>
      %dma_start3A_200 = arith.constant 0 : i32
      %dma_start3A_201 = tpu.memref_slice %arg4[%mul3A_197, %dma_start3A_200] : memref<100000x128xf32, #tpu.memory_space<hbm>> -> memref<400x128xf32, #tpu.memory_space<hbm>>
      tpu.enqueue_dma source(%arg7 : memref<400x128xf32, #tpu.memory_space<vmem>>) target(%dma_start3A_201 : memref<400x128xf32, #tpu.memory_space<hbm>>) target_semaphore(%arg11 : memref<!tpu.dma_semaphore, #tpu.memory_space<semaphore_mem>>)
    } else {
    }
    %add3A_135 = arith.constant 96 : i32
    %add3A_136 = arith.addi %add3A, %add3A_135 : i32
    %lt3A_137 = arith.constant 250 : i32
    %lt3A_138 = arith.cmpi slt, %add3A_136, %lt3A_137 : i32
    %convert_element_type3A_139 = arith.extui %lt3A_138 : i1 to i32
    %cond3A_140 = arith.constant 0 : i32
    %cond3A_141 = arith.cmpi ne, %convert_element_type3A_139, %cond3A_140 : i32
    scf.if %cond3A_141 {
      %mul3A_181 = arith.constant 400 : i32
      %mul3A_182 = arith.muli %add3A_136, %mul3A_181 : i32
      %dma_wait3A_183 = arith.constant 0 : i32
      %dma_wait3A_184 = tpu.memref_slice %arg4[%mul3A_182, %dma_wait3A_183] : memref<100000x128xf32, #tpu.memory_space<hbm>> -> memref<400x128xf32, #tpu.memory_space<hbm>>
      %dma_wait3A_185 = arith.constant 0 : i32
      %dma_wait3A_186 = tpu.memref_slice %arg4[%mul3A_182, %dma_wait3A_185] : memref<100000x128xf32, #tpu.memory_space<hbm>> -> memref<400x128xf32, #tpu.memory_space<hbm>>
      tpu.wait_dma2 semaphore(%arg12 : memref<!tpu.dma_semaphore, #tpu.memory_space<semaphore_mem>>) src(%arg8 : memref<400x128xf32, #tpu.memory_space<vmem>>) dst(%dma_wait3A_186 : memref<400x128xf32, #tpu.memory_space<hbm>>)
      %dma_start3A = arith.constant 1200 : i32
      %dma_start3A_187 = tpu.memref_slice %arg6[%dma_start3A] : memref<3200xi32, #tpu.memory_space<vmem>> -> memref<400xi32, #tpu.memory_space<vmem>>
      %dma_start3A_188 = arith.constant 0 : i32
      %dma_start3A_189 = arith.constant 0 : i32
      %dma_start3A_190 = tpu.memref_slice %arg5[%dma_start3A_188, %dma_start3A_189] : memref<119x128xf32, #tpu.memory_space<vmem_shared>> -> memref<119x128xf32, #tpu.memory_space<vmem_shared>>
      tpu.enqueue_indirect_dma source(%dma_start3A_190 : memref<119x128xf32, #tpu.memory_space<vmem_shared>>) target(%arg8 : memref<400x128xf32, #tpu.memory_space<vmem>>) offsets(%dma_start3A_187 : memref<400xi32, #tpu.memory_space<vmem>>) semaphore(%arg10 : memref<!tpu.dma_semaphore, #tpu.memory_space<semaphore_mem>>)
      %dma_wait3A_191 = arith.constant 1200 : i32
      %dma_wait3A_192 = tpu.memref_slice %arg6[%dma_wait3A_191] : memref<3200xi32, #tpu.memory_space<vmem>> -> memref<400xi32, #tpu.memory_space<vmem>>
      %dma_wait3A_193 = arith.constant 0 : i32
      %dma_wait3A_194 = arith.constant 0 : i32
      %dma_wait3A_195 = tpu.memref_slice %arg5[%dma_wait3A_193, %dma_wait3A_194] : memref<119x128xf32, #tpu.memory_space<vmem_shared>> -> memref<119x128xf32, #tpu.memory_space<vmem_shared>>
      tpu.wait_indirect_dma semaphore(%arg10 : memref<!tpu.dma_semaphore, #tpu.memory_space<semaphore_mem>>) src(%dma_wait3A_195 : memref<119x128xf32, #tpu.memory_space<vmem_shared>>) dst(%arg8 : memref<400x128xf32, #tpu.memory_space<vmem>>)
      %mul3A_196 = arith.constant 400 : i32
      %mul3A_197 = arith.muli %add3A_136, %mul3A_196 : i32
      %dma_start3A_198 = arith.constant 0 : i32
      %dma_start3A_199 = tpu.memref_slice %arg4[%mul3A_197, %dma_start3A_198] : memref<100000x128xf32, #tpu.memory_space<hbm>> -> memref<400x128xf32, #tpu.memory_space<hbm>>
      %dma_start3A_200 = arith.constant 0 : i32
      %dma_start3A_201 = tpu.memref_slice %arg4[%mul3A_197, %dma_start3A_200] : memref<100000x128xf32, #tpu.memory_space<hbm>> -> memref<400x128xf32, #tpu.memory_space<hbm>>
      tpu.enqueue_dma source(%arg8 : memref<400x128xf32, #tpu.memory_space<vmem>>) target(%dma_start3A_201 : memref<400x128xf32, #tpu.memory_space<hbm>>) target_semaphore(%arg12 : memref<!tpu.dma_semaphore, #tpu.memory_space<semaphore_mem>>)
    } else {
    }
    %add3A_142 = arith.constant 128 : i32
    %add3A_143 = arith.addi %add3A, %add3A_142 : i32
    %lt3A_144 = arith.constant 250 : i32
    %lt3A_145 = arith.cmpi slt, %add3A_143, %lt3A_144 : i32
    %convert_element_type3A_146 = arith.extui %lt3A_145 : i1 to i32
    %cond3A_147 = arith.constant 0 : i32
    %cond3A_148 = arith.cmpi ne, %convert_element_type3A_146, %cond3A_147 : i32
    scf.if %cond3A_148 {
      %mul3A_181 = arith.constant 400 : i32
      %mul3A_182 = arith.muli %add3A_143, %mul3A_181 : i32
      %dma_wait3A_183 = arith.constant 0 : i32
      %dma_wait3A_184 = tpu.memref_slice %arg4[%mul3A_182, %dma_wait3A_183] : memref<100000x128xf32, #tpu.memory_space<hbm>> -> memref<400x128xf32, #tpu.memory_space<hbm>>
      %dma_wait3A_185 = arith.constant 0 : i32
      %dma_wait3A_186 = tpu.memref_slice %arg4[%mul3A_182, %dma_wait3A_185] : memref<100000x128xf32, #tpu.memory_space<hbm>> -> memref<400x128xf32, #tpu.memory_space<hbm>>
      tpu.wait_dma2 semaphore(%arg11 : memref<!tpu.dma_semaphore, #tpu.memory_space<semaphore_mem>>) src(%arg7 : memref<400x128xf32, #tpu.memory_space<vmem>>) dst(%dma_wait3A_186 : memref<400x128xf32, #tpu.memory_space<hbm>>)
      %dma_start3A = arith.constant 1600 : i32
      %dma_start3A_187 = tpu.memref_slice %arg6[%dma_start3A] : memref<3200xi32, #tpu.memory_space<vmem>> -> memref<400xi32, #tpu.memory_space<vmem>>
      %dma_start3A_188 = arith.constant 0 : i32
      %dma_start3A_189 = arith.constant 0 : i32
      %dma_start3A_190 = tpu.memref_slice %arg5[%dma_start3A_188, %dma_start3A_189] : memref<119x128xf32, #tpu.memory_space<vmem_shared>> -> memref<119x128xf32, #tpu.memory_space<vmem_shared>>
      tpu.enqueue_indirect_dma source(%dma_start3A_190 : memref<119x128xf32, #tpu.memory_space<vmem_shared>>) target(%arg7 : memref<400x128xf32, #tpu.memory_space<vmem>>) offsets(%dma_start3A_187 : memref<400xi32, #tpu.memory_space<vmem>>) semaphore(%arg10 : memref<!tpu.dma_semaphore, #tpu.memory_space<semaphore_mem>>)
      %dma_wait3A_191 = arith.constant 1600 : i32
      %dma_wait3A_192 = tpu.memref_slice %arg6[%dma_wait3A_191] : memref<3200xi32, #tpu.memory_space<vmem>> -> memref<400xi32, #tpu.memory_space<vmem>>
      %dma_wait3A_193 = arith.constant 0 : i32
      %dma_wait3A_194 = arith.constant 0 : i32
      %dma_wait3A_195 = tpu.memref_slice %arg5[%dma_wait3A_193, %dma_wait3A_194] : memref<119x128xf32, #tpu.memory_space<vmem_shared>> -> memref<119x128xf32, #tpu.memory_space<vmem_shared>>
      tpu.wait_indirect_dma semaphore(%arg10 : memref<!tpu.dma_semaphore, #tpu.memory_space<semaphore_mem>>) src(%dma_wait3A_195 : memref<119x128xf32, #tpu.memory_space<vmem_shared>>) dst(%arg7 : memref<400x128xf32, #tpu.memory_space<vmem>>)
      %mul3A_196 = arith.constant 400 : i32
      %mul3A_197 = arith.muli %add3A_143, %mul3A_196 : i32
      %dma_start3A_198 = arith.constant 0 : i32
      %dma_start3A_199 = tpu.memref_slice %arg4[%mul3A_197, %dma_start3A_198] : memref<100000x128xf32, #tpu.memory_space<hbm>> -> memref<400x128xf32, #tpu.memory_space<hbm>>
      %dma_start3A_200 = arith.constant 0 : i32
      %dma_start3A_201 = tpu.memref_slice %arg4[%mul3A_197, %dma_start3A_200] : memref<100000x128xf32, #tpu.memory_space<hbm>> -> memref<400x128xf32, #tpu.memory_space<hbm>>
      tpu.enqueue_dma source(%arg7 : memref<400x128xf32, #tpu.memory_space<vmem>>) target(%dma_start3A_201 : memref<400x128xf32, #tpu.memory_space<hbm>>) target_semaphore(%arg11 : memref<!tpu.dma_semaphore, #tpu.memory_space<semaphore_mem>>)
    } else {
    }
    %add3A_149 = arith.constant 160 : i32
    %add3A_150 = arith.addi %add3A, %add3A_149 : i32
    %lt3A_151 = arith.constant 250 : i32
    %lt3A_152 = arith.cmpi slt, %add3A_150, %lt3A_151 : i32
    %convert_element_type3A_153 = arith.extui %lt3A_152 : i1 to i32
    %cond3A_154 = arith.constant 0 : i32
    %cond3A_155 = arith.cmpi ne, %convert_element_type3A_153, %cond3A_154 : i32
    scf.if %cond3A_155 {
      %mul3A_181 = arith.constant 400 : i32
      %mul3A_182 = arith.muli %add3A_150, %mul3A_181 : i32
      %dma_wait3A_183 = arith.constant 0 : i32
      %dma_wait3A_184 = tpu.memref_slice %arg4[%mul3A_182, %dma_wait3A_183] : memref<100000x128xf32, #tpu.memory_space<hbm>> -> memref<400x128xf32, #tpu.memory_space<hbm>>
      %dma_wait3A_185 = arith.constant 0 : i32
      %dma_wait3A_186 = tpu.memref_slice %arg4[%mul3A_182, %dma_wait3A_185] : memref<100000x128xf32, #tpu.memory_space<hbm>> -> memref<400x128xf32, #tpu.memory_space<hbm>>
      tpu.wait_dma2 semaphore(%arg12 : memref<!tpu.dma_semaphore, #tpu.memory_space<semaphore_mem>>) src(%arg8 : memref<400x128xf32, #tpu.memory_space<vmem>>) dst(%dma_wait3A_186 : memref<400x128xf32, #tpu.memory_space<hbm>>)
      %dma_start3A = arith.constant 2000 : i32
      %dma_start3A_187 = tpu.memref_slice %arg6[%dma_start3A] : memref<3200xi32, #tpu.memory_space<vmem>> -> memref<400xi32, #tpu.memory_space<vmem>>
      %dma_start3A_188 = arith.constant 0 : i32
      %dma_start3A_189 = arith.constant 0 : i32
      %dma_start3A_190 = tpu.memref_slice %arg5[%dma_start3A_188, %dma_start3A_189] : memref<119x128xf32, #tpu.memory_space<vmem_shared>> -> memref<119x128xf32, #tpu.memory_space<vmem_shared>>
      tpu.enqueue_indirect_dma source(%dma_start3A_190 : memref<119x128xf32, #tpu.memory_space<vmem_shared>>) target(%arg8 : memref<400x128xf32, #tpu.memory_space<vmem>>) offsets(%dma_start3A_187 : memref<400xi32, #tpu.memory_space<vmem>>) semaphore(%arg10 : memref<!tpu.dma_semaphore, #tpu.memory_space<semaphore_mem>>)
      %dma_wait3A_191 = arith.constant 2000 : i32
      %dma_wait3A_192 = tpu.memref_slice %arg6[%dma_wait3A_191] : memref<3200xi32, #tpu.memory_space<vmem>> -> memref<400xi32, #tpu.memory_space<vmem>>
      %dma_wait3A_193 = arith.constant 0 : i32
      %dma_wait3A_194 = arith.constant 0 : i32
      %dma_wait3A_195 = tpu.memref_slice %arg5[%dma_wait3A_193, %dma_wait3A_194] : memref<119x128xf32, #tpu.memory_space<vmem_shared>> -> memref<119x128xf32, #tpu.memory_space<vmem_shared>>
      tpu.wait_indirect_dma semaphore(%arg10 : memref<!tpu.dma_semaphore, #tpu.memory_space<semaphore_mem>>) src(%dma_wait3A_195 : memref<119x128xf32, #tpu.memory_space<vmem_shared>>) dst(%arg8 : memref<400x128xf32, #tpu.memory_space<vmem>>)
      %mul3A_196 = arith.constant 400 : i32
      %mul3A_197 = arith.muli %add3A_150, %mul3A_196 : i32
      %dma_start3A_198 = arith.constant 0 : i32
      %dma_start3A_199 = tpu.memref_slice %arg4[%mul3A_197, %dma_start3A_198] : memref<100000x128xf32, #tpu.memory_space<hbm>> -> memref<400x128xf32, #tpu.memory_space<hbm>>
      %dma_start3A_200 = arith.constant 0 : i32
      %dma_start3A_201 = tpu.memref_slice %arg4[%mul3A_197, %dma_start3A_200] : memref<100000x128xf32, #tpu.memory_space<hbm>> -> memref<400x128xf32, #tpu.memory_space<hbm>>
      tpu.enqueue_dma source(%arg8 : memref<400x128xf32, #tpu.memory_space<vmem>>) target(%dma_start3A_201 : memref<400x128xf32, #tpu.memory_space<hbm>>) target_semaphore(%arg12 : memref<!tpu.dma_semaphore, #tpu.memory_space<semaphore_mem>>)
    } else {
    }
    %add3A_156 = arith.constant 192 : i32
    %add3A_157 = arith.addi %add3A, %add3A_156 : i32
    %lt3A_158 = arith.constant 250 : i32
    %lt3A_159 = arith.cmpi slt, %add3A_157, %lt3A_158 : i32
    %convert_element_type3A_160 = arith.extui %lt3A_159 : i1 to i32
    %cond3A_161 = arith.constant 0 : i32
    %cond3A_162 = arith.cmpi ne, %convert_element_type3A_160, %cond3A_161 : i32
    scf.if %cond3A_162 {
      %mul3A_181 = arith.constant 400 : i32
      %mul3A_182 = arith.muli %add3A_157, %mul3A_181 : i32
      %dma_wait3A_183 = arith.constant 0 : i32
      %dma_wait3A_184 = tpu.memref_slice %arg4[%mul3A_182, %dma_wait3A_183] : memref<100000x128xf32, #tpu.memory_space<hbm>> -> memref<400x128xf32, #tpu.memory_space<hbm>>
      %dma_wait3A_185 = arith.constant 0 : i32
      %dma_wait3A_186 = tpu.memref_slice %arg4[%mul3A_182, %dma_wait3A_185] : memref<100000x128xf32, #tpu.memory_space<hbm>> -> memref<400x128xf32, #tpu.memory_space<hbm>>
      tpu.wait_dma2 semaphore(%arg11 : memref<!tpu.dma_semaphore, #tpu.memory_space<semaphore_mem>>) src(%arg7 : memref<400x128xf32, #tpu.memory_space<vmem>>) dst(%dma_wait3A_186 : memref<400x128xf32, #tpu.memory_space<hbm>>)
      %dma_start3A = arith.constant 2400 : i32
      %dma_start3A_187 = tpu.memref_slice %arg6[%dma_start3A] : memref<3200xi32, #tpu.memory_space<vmem>> -> memref<400xi32, #tpu.memory_space<vmem>>
      %dma_start3A_188 = arith.constant 0 : i32
      %dma_start3A_189 = arith.constant 0 : i32
      %dma_start3A_190 = tpu.memref_slice %arg5[%dma_start3A_188, %dma_start3A_189] : memref<119x128xf32, #tpu.memory_space<vmem_shared>> -> memref<119x128xf32, #tpu.memory_space<vmem_shared>>
      tpu.enqueue_indirect_dma source(%dma_start3A_190 : memref<119x128xf32, #tpu.memory_space<vmem_shared>>) target(%arg7 : memref<400x128xf32, #tpu.memory_space<vmem>>) offsets(%dma_start3A_187 : memref<400xi32, #tpu.memory_space<vmem>>) semaphore(%arg10 : memref<!tpu.dma_semaphore, #tpu.memory_space<semaphore_mem>>)
      %dma_wait3A_191 = arith.constant 2400 : i32
      %dma_wait3A_192 = tpu.memref_slice %arg6[%dma_wait3A_191] : memref<3200xi32, #tpu.memory_space<vmem>> -> memref<400xi32, #tpu.memory_space<vmem>>
      %dma_wait3A_193 = arith.constant 0 : i32
      %dma_wait3A_194 = arith.constant 0 : i32
      %dma_wait3A_195 = tpu.memref_slice %arg5[%dma_wait3A_193, %dma_wait3A_194] : memref<119x128xf32, #tpu.memory_space<vmem_shared>> -> memref<119x128xf32, #tpu.memory_space<vmem_shared>>
      tpu.wait_indirect_dma semaphore(%arg10 : memref<!tpu.dma_semaphore, #tpu.memory_space<semaphore_mem>>) src(%dma_wait3A_195 : memref<119x128xf32, #tpu.memory_space<vmem_shared>>) dst(%arg7 : memref<400x128xf32, #tpu.memory_space<vmem>>)
      %mul3A_196 = arith.constant 400 : i32
      %mul3A_197 = arith.muli %add3A_157, %mul3A_196 : i32
      %dma_start3A_198 = arith.constant 0 : i32
      %dma_start3A_199 = tpu.memref_slice %arg4[%mul3A_197, %dma_start3A_198] : memref<100000x128xf32, #tpu.memory_space<hbm>> -> memref<400x128xf32, #tpu.memory_space<hbm>>
      %dma_start3A_200 = arith.constant 0 : i32
      %dma_start3A_201 = tpu.memref_slice %arg4[%mul3A_197, %dma_start3A_200] : memref<100000x128xf32, #tpu.memory_space<hbm>> -> memref<400x128xf32, #tpu.memory_space<hbm>>
      tpu.enqueue_dma source(%arg7 : memref<400x128xf32, #tpu.memory_space<vmem>>) target(%dma_start3A_201 : memref<400x128xf32, #tpu.memory_space<hbm>>) target_semaphore(%arg11 : memref<!tpu.dma_semaphore, #tpu.memory_space<semaphore_mem>>)
    } else {
    }
    %add3A_163 = arith.constant 224 : i32
    %add3A_164 = arith.addi %add3A, %add3A_163 : i32
    %lt3A_165 = arith.constant 250 : i32
    %lt3A_166 = arith.cmpi slt, %add3A_164, %lt3A_165 : i32
    %convert_element_type3A_167 = arith.extui %lt3A_166 : i1 to i32
    %cond3A_168 = arith.constant 0 : i32
    %cond3A_169 = arith.cmpi ne, %convert_element_type3A_167, %cond3A_168 : i32
    scf.if %cond3A_169 {
      %mul3A_181 = arith.constant 400 : i32
      %mul3A_182 = arith.muli %add3A_164, %mul3A_181 : i32
      %dma_wait3A_183 = arith.constant 0 : i32
      %dma_wait3A_184 = tpu.memref_slice %arg4[%mul3A_182, %dma_wait3A_183] : memref<100000x128xf32, #tpu.memory_space<hbm>> -> memref<400x128xf32, #tpu.memory_space<hbm>>
      %dma_wait3A_185 = arith.constant 0 : i32
      %dma_wait3A_186 = tpu.memref_slice %arg4[%mul3A_182, %dma_wait3A_185] : memref<100000x128xf32, #tpu.memory_space<hbm>> -> memref<400x128xf32, #tpu.memory_space<hbm>>
      tpu.wait_dma2 semaphore(%arg12 : memref<!tpu.dma_semaphore, #tpu.memory_space<semaphore_mem>>) src(%arg8 : memref<400x128xf32, #tpu.memory_space<vmem>>) dst(%dma_wait3A_186 : memref<400x128xf32, #tpu.memory_space<hbm>>)
      %dma_start3A = arith.constant 2800 : i32
      %dma_start3A_187 = tpu.memref_slice %arg6[%dma_start3A] : memref<3200xi32, #tpu.memory_space<vmem>> -> memref<400xi32, #tpu.memory_space<vmem>>
      %dma_start3A_188 = arith.constant 0 : i32
      %dma_start3A_189 = arith.constant 0 : i32
      %dma_start3A_190 = tpu.memref_slice %arg5[%dma_start3A_188, %dma_start3A_189] : memref<119x128xf32, #tpu.memory_space<vmem_shared>> -> memref<119x128xf32, #tpu.memory_space<vmem_shared>>
      tpu.enqueue_indirect_dma source(%dma_start3A_190 : memref<119x128xf32, #tpu.memory_space<vmem_shared>>) target(%arg8 : memref<400x128xf32, #tpu.memory_space<vmem>>) offsets(%dma_start3A_187 : memref<400xi32, #tpu.memory_space<vmem>>) semaphore(%arg10 : memref<!tpu.dma_semaphore, #tpu.memory_space<semaphore_mem>>)
      %dma_wait3A_191 = arith.constant 2800 : i32
      %dma_wait3A_192 = tpu.memref_slice %arg6[%dma_wait3A_191] : memref<3200xi32, #tpu.memory_space<vmem>> -> memref<400xi32, #tpu.memory_space<vmem>>
      %dma_wait3A_193 = arith.constant 0 : i32
      %dma_wait3A_194 = arith.constant 0 : i32
      %dma_wait3A_195 = tpu.memref_slice %arg5[%dma_wait3A_193, %dma_wait3A_194] : memref<119x128xf32, #tpu.memory_space<vmem_shared>> -> memref<119x128xf32, #tpu.memory_space<vmem_shared>>
      tpu.wait_indirect_dma semaphore(%arg10 : memref<!tpu.dma_semaphore, #tpu.memory_space<semaphore_mem>>) src(%dma_wait3A_195 : memref<119x128xf32, #tpu.memory_space<vmem_shared>>) dst(%arg8 : memref<400x128xf32, #tpu.memory_space<vmem>>)
      %mul3A_196 = arith.constant 400 : i32
      %mul3A_197 = arith.muli %add3A_164, %mul3A_196 : i32
      %dma_start3A_198 = arith.constant 0 : i32
      %dma_start3A_199 = tpu.memref_slice %arg4[%mul3A_197, %dma_start3A_198] : memref<100000x128xf32, #tpu.memory_space<hbm>> -> memref<400x128xf32, #tpu.memory_space<hbm>>
      %dma_start3A_200 = arith.constant 0 : i32
      %dma_start3A_201 = tpu.memref_slice %arg4[%mul3A_197, %dma_start3A_200] : memref<100000x128xf32, #tpu.memory_space<hbm>> -> memref<400x128xf32, #tpu.memory_space<hbm>>
      tpu.enqueue_dma source(%arg8 : memref<400x128xf32, #tpu.memory_space<vmem>>) target(%dma_start3A_201 : memref<400x128xf32, #tpu.memory_space<hbm>>) target_semaphore(%arg12 : memref<!tpu.dma_semaphore, #tpu.memory_space<semaphore_mem>>)
    } else {
    }
    %dma_wait3A = arith.constant 0 : i32
    %dma_wait3A_170 = arith.constant 0 : i32
    %dma_wait3A_171 = tpu.memref_slice %arg4[%dma_wait3A, %dma_wait3A_170] : memref<100000x128xf32, #tpu.memory_space<hbm>> -> memref<400x128xf32, #tpu.memory_space<hbm>>
    %dma_wait3A_172 = arith.constant 0 : i32
    %dma_wait3A_173 = arith.constant 0 : i32
    %dma_wait3A_174 = tpu.memref_slice %arg4[%dma_wait3A_172, %dma_wait3A_173] : memref<100000x128xf32, #tpu.memory_space<hbm>> -> memref<400x128xf32, #tpu.memory_space<hbm>>
    tpu.wait_dma2 semaphore(%arg11 : memref<!tpu.dma_semaphore, #tpu.memory_space<semaphore_mem>>) src(%arg7 : memref<400x128xf32, #tpu.memory_space<vmem>>) dst(%dma_wait3A_174 : memref<400x128xf32, #tpu.memory_space<hbm>>)
    %dma_wait3A_175 = arith.constant 0 : i32
    %dma_wait3A_176 = arith.constant 0 : i32
    %dma_wait3A_177 = tpu.memref_slice %arg4[%dma_wait3A_175, %dma_wait3A_176] : memref<100000x128xf32, #tpu.memory_space<hbm>> -> memref<400x128xf32, #tpu.memory_space<hbm>>
    %dma_wait3A_178 = arith.constant 0 : i32
    %dma_wait3A_179 = arith.constant 0 : i32
    %dma_wait3A_180 = tpu.memref_slice %arg4[%dma_wait3A_178, %dma_wait3A_179] : memref<100000x128xf32, #tpu.memory_space<hbm>> -> memref<400x128xf32, #tpu.memory_space<hbm>>
    tpu.wait_dma2 semaphore(%arg12 : memref<!tpu.dma_semaphore, #tpu.memory_space<semaphore_mem>>) src(%arg8 : memref<400x128xf32, #tpu.memory_space<vmem>>) dst(%dma_wait3A_180 : memref<400x128xf32, #tpu.memory_space<hbm>>)
    return
  }
}

module attributes {stable_mosaic.version = 14 : i64} {
  func.func @_tc_onehot_body(%arg0: i32, %arg1: memref<1x1x5000xi32, #tpu.memory_space<vmem>>, %arg2: memref<128x128xf32, #tpu.memory_space<vmem>>, %arg3: memref<5000x128xf32, #tpu.memory_space<vmem>>) attributes {dimension_semantics = [#tpu.dimension_semantics<arbitrary>], iteration_bounds = array<i64: 20>, scalar_prefetch = 0 : i64, scratch_operands = 0 : i64, tpu.core_type = #tpu.core_type<tc>, window_params = [{transform_indices = @transform_0, window_bounds = array<i64: 1, 1, 5000>}, {pipeline_mode = #tpu.pipeline_mode<synchronous>, transform_indices = @transform_1, window_bounds = array<i64: 128, 128>}, {transform_indices = @transform_2, window_bounds = array<i64: 5000, 128>}]} {
    %get3A = arith.constant 0 : index
    %get3A_0 = arith.constant 0 : index
    %get3A_1 = arith.constant 0 : index
    %get3A_2 = vector.load %arg1[%get3A, %get3A_0, %get3A_1] : memref<1x1x5000xi32, #tpu.memory_space<vmem>>, vector<1x1x5000xi32>
    %get3A_3 = vector.shape_cast %get3A_2 : vector<1x1x5000xi32> to vector<5000xi32>
    %broadcast_in_dim3A = vector.shape_cast %get3A_3 : vector<5000xi32> to vector<5000x1xi32>
    %iota3A = tpu.iota {dimensions = array<i32: 1>} : vector<5000x128xi32>
    %eq3A = vector.broadcast %broadcast_in_dim3A : vector<5000x1xi32> to vector<5000x128xi32>
    %eq3A_4 = arith.cmpi eq, %eq3A, %iota3A : vector<5000x128xi32>
    %convert_element_type3A = arith.extui %eq3A_4 : vector<5000x128xi1> to vector<5000x128xi32>
    %convert_element_type3A_5 = arith.sitofp %convert_element_type3A : vector<5000x128xi32> to vector<5000x128xf32>
    %get3A_6 = arith.constant 0 : index
    %get3A_7 = arith.constant 0 : index
    %get3A_8 = vector.load %arg2[%get3A_6, %get3A_7] : memref<128x128xf32, #tpu.memory_space<vmem>>, vector<128x128xf32>
    %dot_general3A = arith.constant dense<0.000000e+00> : vector<5000x128xf32>
    %dot_general3A_9 = tpu.matmul %convert_element_type3A_5, %get3A_8, %dot_general3A {dimension_numbers = #tpu.dot_dimension_numbers<[1], [0], [0], [1], [0, 0, 1, 1], [], []>, transpose_lhs_hint = false} : vector<5000x128xf32>, vector<128x128xf32>, vector<5000x128xf32> -> vector<5000x128xf32>
    %swap3A = arith.constant 0 : index
    %swap3A_10 = arith.constant 0 : index
    %swap3A_11 = vector.load %arg3[%swap3A, %swap3A_10] : memref<5000x128xf32, #tpu.memory_space<vmem>>, vector<5000x128xf32>
    tpu.vector_store %arg3[%swap3A, %swap3A_10], %dot_general3A_9 {strides = array<i32>} : memref<5000x128xf32, #tpu.memory_space<vmem>>, vector<5000x128xf32>,
    return
  }
  func.func @transform_0(%arg0: i32) -> (i32, i32, i32) {
    %c0_i32 = arith.constant 0 : i32
    %c0_i32_0 = arith.constant 0 : i32
    %c0_i32_1 = arith.constant 0 : i32
    return %arg0, %c0_i32, %c0_i32_0 : i32, i32, i32
  }
  func.func @transform_1(%arg0: i32) -> (i32, i32) {
    %c0_i32 = arith.constant 0 : i32
    %c0_i32_0 = arith.constant 0 : i32
    %c0_i32_1 = arith.constant 0 : i32
    return %c0_i32, %c0_i32_0 : i32, i32
  }
  func.func @transform_2(%arg0: i32) -> (i32, i32) {
    %c0_i32 = arith.constant 0 : i32
    %c0_i32_0 = arith.constant 0 : i32
    return %arg0, %c0_i32 : i32, i32
  }
}

</mosaic_0001>

<sc_bundles>
// kernel: kernel.4.cloned.1.call-start
scs
__scs_entry_jumppad:
0x0: {  	(pc) =	sbr.rel $0x88, $3  }
0x1: {  	(tag) =	ssettag $0x0;
	lr =	simm.s32 $0x1  }
0x2: {  	[smem:$0x3F9F] =	sst lr;
	_ =	strace $0xD0000000  }
0x3: {  	_ = 	snop  }
0x4: {  	_ = 	snop  }
0x5: {  	_ = 	snop  }
0x6: {  	_ = 	snop  }
0x7: {  	_ = 	snop  }
__scs_overlays_trampoline_lowered:
0x8: {  	[smem:$0x3FAE] =	sst s0  }
0x9: {  	[smem:$0x3FAF] =	sst s1  }
0xa: {  	[smem:$0x3FB0] =	sst s2  }
0xb: {  	[smem:$0x3FB1] =	sst s3  }
0xc: {  	[smem:$0x3FB2] =	sst s4  }
0xd: {  	[smem:$0x3FB3] =	sst s5  }
0xe: {  	[smem:$0x3FB4] =	sst s6  }
0xf: {  	[smem:$0x3FB5] =	sst s7  }
0x10: {  	[smem:$0x3FB6] =	sst s8  }
0x11: {  	[smem:$0x3FB7] =	sst s9;
	s0 =	simm.s32 @!p0 $0x0  }
0x12: {  	s1 =	sld [smem:$0x3F9D];
	s0 =	simm.s32 @p0 $0x1  }
0x13: {  	[smem:$0x3FB8] =	sst s0;
	s0 =	simm.s32 @!p1 $0x0  }
0x14: {  	s2 =	sld [smem:$0x3F9C];
	s0 =	simm.s32 @p1 $0x1  }
0x15: {  	[smem:$0x3FB9] =	sst s0;
	s0 =	simm.s32 @!p2 $0x0  }
0x16: {  	s3 =	sld [smem:$0x3FDB];
	s0 =	simm.s32 @p2 $0x1  }
0x17: {  	s4 =	simm.s32 $0x1BF5;
	[smem:$0x3FBB] =	sst s0  }
0x18: {  	s0 =	sld [smem:$0x3F9E];
	_ =	swait.ge [sflag:s4], $0x0  }
0x19: {  	s7 =	sld [smem:$0x3F9F]  }
0x1a: {  	s8 =	sadd.s32 $0xFFFFE003, lr  }
0x1b: {  	s9 =	sadd.s32 $0xFFFFFEF7, lr;
	s5 =	simm.s32 $0xFFFFFFFF;
	p2 =	slt.u32 s8, $0xFFFFF086  }
0x1c: {  	p1 =	slt.u32 s9, $0xF7A;
	s5 =	simm.s32 @!p2 $0x0  }
0x1d: {  	s5 =	simm.s32 @p1 $0x1;
	p0 =	seq.s32 s7, s2  }
0x1e: {  	s7 =	smul.u32 @!p0 $0xF7A, s2;
	p2 =	seq.s32 @!p0 s5, $0x0  }
0x1f: {  	s9 =	smul.u32 $0xF7A, s1;
	s8 =	simm.s32 @!p0 $0x1BF5;
	p2 =	por !p2, p0  }
0x20: {  	[sflag:s8] =	ssyncset.s32 @!p0 $0xFFFFF086;
	s6 =	sadd.s32 @!p0 s3, s7;
	s7 =	simm.s32 @!p0 $0x108  }
0x21: {  	s3 =	sadd.s32 s3, s9;
	s6 =	sadd.s32 @!p0 $0x88, s6;
	s7 =	simm.s32 @p2 $0x1082  }
0x22: {  	[simem:s7], [sflag:s8] =	dma.local @!p0 [hbm:s6], $0xF7A  }
0x23: {  	s9 =	sor.u32 $0xD0000000, s2;
	s6 =	simm.s32 $0x108;
	_ =	swait.ge @!p0 [sflag:s8], $0x0  }
0x24: {  	s3 =	sadd.s32 $0x88, s3;
	s6 =	simm.s32 @!p1 $0x1082;
	[sflag:s4] =	ssyncset.s32 $0xFFFFF086  }
0x25: {  	[simem:s6], [sflag:s4] =	dma.local [hbm:s3], $0xF7A  }
0x26: {  	[smem:$0x3F9F] =	sst s1;
	(tag) =	ssettag s2;
	_ =	strace s9  }
0x27: {  	s1 =	sld [smem:$0x3FAF]  }
0x28: {  	s2 =	sld [smem:$0x3FB0]  }
0x29: {  	s4 =	sld [smem:$0x3FB2]  }
0x2a: {  	p0 =	seq.s32 s5, $0x0;
	s5 =	sld [smem:$0x3FB3]  }
0x2b: {  	s6 =	sld [smem:$0x3FB4]  }
0x2c: {  	s7 =	sld [smem:$0x3FB5]  }
0x2d: {  	s3 =	simm.s32 $0x108;
	s8 =	sld [smem:$0x3FB6]  }
0x2e: {  	s3 =	simm.s32 @!p0 $0x1082;
	s9 =	sld [smem:$0x3FB7]  }
0x2f: {  	lr =	sadd.s32 s0, s3;
	s0 =	sld [smem:$0x3FAE]  }
0x30: {  	s3 =	sld [smem:$0x3FB1]  }
0x31: {  	[smem:$0x3FBA] =	sst s10  }
0x32: {  	s10 =	sld [smem:$0x3FB8];
	_ =	sdelay $0x3  }
0x33: {  	p0 =	seq.s32 s10, $0x1;
	s10 =	sld [smem:$0x3FBA];
	_ =	sdelay $0x3  }
0x34: {  	[smem:$0x3FBA] =	sst s10  }
0x35: {  	s10 =	sld [smem:$0x3FB9];
	_ =	sdelay $0x3  }
0x36: {  	p1 =	seq.s32 s10, $0x1;
	s10 =	sld [smem:$0x3FBA];
	_ =	sdelay $0x3  }
0x37: {  	[smem:$0x3FBA] =	sst s10  }
0x38: {  	s10 =	sld [smem:$0x3FBB]  }
0x39: {  	_ = 	snop;
	(pc) =	sbr.ind lr, $3  }
0x3a: {  	_ = 	snop  }
0x3b: {  	_ = 	snop  }
0x3c: {  	p2 =	seq.s32 s10, $0x1;
	s10 =	sld [smem:$0x3FBA]  }
0x3d: {  	_ =	shalt  }
0x3e: {  	_ =	shalt  }
0x3f: {  	_ =	shalt  }
0x40: {  	_ =	shalt  }
0x41: {  	_ =	shalt  }
0x42: {  	_ =	shalt  }
0x43: {  	_ =	shalt  }
0x44: {  	_ =	shalt  }
0x45: {  	_ =	shalt  }
0x46: {  	_ =	shalt  }
0x47: {  	_ =	shalt  }
0x48: {  	_ =	shalt  }
0x49: {  	_ =	shalt  }
0x4a: {  	_ =	shalt  }
0x4b: {  	_ =	shalt  }
0x4c: {  	_ =	shalt  }
0x4d: {  	_ =	shalt  }
0x4e: {  	_ =	shalt  }
0x4f: {  	_ =	shalt  }
0x50: {  	_ =	shalt  }
0x51: {  	_ =	shalt  }
0x52: {  	_ =	shalt  }
0x53: {  	_ =	shalt  }
0x54: {  	_ =	shalt  }
0x55: {  	_ =	shalt  }
0x56: {  	_ =	shalt  }
0x57: {  	_ =	shalt  }
0x58: {  	_ =	shalt  }
0x59: {  	_ =	shalt  }
0x5a: {  	_ =	shalt  }
0x5b: {  	_ =	shalt  }
0x5c: {  	_ =	shalt  }
0x5d: {  	_ =	shalt  }
0x5e: {  	_ =	shalt  }
0x5f: {  	_ =	shalt  }
0x60: {  	_ =	shalt  }
0x61: {  	_ =	shalt  }
0x62: {  	_ =	shalt  }
0x63: {  	_ =	shalt  }
0x64: {  	_ =	shalt  }
0x65: {  	_ =	shalt  }
0x66: {  	_ =	shalt  }
0x67: {  	_ =	shalt  }
0x68: {  	_ =	shalt  }
0x69: {  	_ =	shalt  }
0x6a: {  	_ =	shalt  }
0x6b: {  	_ =	shalt  }
0x6c: {  	_ =	shalt  }
0x6d: {  	_ =	shalt  }
0x6e: {  	_ =	shalt  }
0x6f: {  	_ =	shalt  }
0x70: {  	_ =	shalt  }
0x71: {  	_ =	shalt  }
0x72: {  	_ =	shalt  }
0x73: {  	_ =	shalt  }
0x74: {  	_ =	shalt  }
0x75: {  	_ =	shalt  }
0x76: {  	_ =	shalt  }
0x77: {  	_ =	shalt  }
0x78: {  	_ =	shalt  }
0x79: {  	_ =	shalt  }
0x7a: {  	_ =	shalt  }
0x7b: {  	_ =	shalt  }
0x7c: {  	_ =	shalt  }
0x7d: {  	_ =	shalt  }
0x7e: {  	_ =	shalt  }
0x7f: {  	_ =	shalt  }
0x80: {  	_ =	shalt  }
0x81: {  	_ =	shalt  }
0x82: {  	_ =	shalt  }
0x83: {  	_ =	shalt  }
0x84: {  	_ =	shalt  }
0x85: {  	_ =	shalt  }
0x86: {  	_ =	shalt  }
0x87: {  	_ =	shalt  }
.Lfunc_end0:
.L_simem_size_0:
called_computation_lowered:
.L_overlay_start_0:
0x88: {  	s2 =	sld [smem:$0x3FD9]  }
0x89: {  	s3 =	sld [smem:$0x3FFE];
	_ =	sdelay $0x1  }
0x8a: {  	s1 =	srdreg.scid  }
0x8b: {  	s0 =	sand.u32 $0x1, s1  }
0x8c: {  	s15 =	sshll.u32 s0, $0xA;
	s2 =	sadd.s32 s3, s2  }
0x8d: {  	s2 =	sadd.s32 s2, s15  }
0x8e: {  	[smem:$0x3FC6] =	sst s2  }
0x8f: {  	_ = 	snop  }
0x90: {  	s2 =	sld [smem:$0x3FD0];
	_ =	sdelay $0x1  }
0x91: {  	s16 =	sld [smem:$0x3FC9]  }
0x92: {  	s5 =	simm.s32 $0xA;
	s6 =	simm.s32 $0x10;
	s4 =	sld [smem:$0x3FC8]  }
0x93: {  	[smem:s6], [sflag:s5] =	dma.local [hbm:s2], $0x1  }
0x94: {  	_ =	swait.eq [sflag:s5], $0x1  }
0x95: {  	[sflag:s5] =	ssyncset.done $0x0  }
0x96: {  	[sflag:s5] =	ssyncadd.s32 $0xFFFFFFFF  }
0x97: {  	s17 =	sld [smem:$0x10];
	(tm) =	ssettm $0x1  }
0x98: {  	s18 =	sld [smem:$0x3FFB];
	_ =	sdelay $0x3  }
0x99: {  	_ =	strace s18  }
0x9a: {  	s5 =	sld [smem:$0x3FFC];
	_ =	sdelay $0x3  }
0x9b: {  	_ =	strace s5  }
0x9c: {  	s5 =	sld [smem:$0x3FFD];
	_ =	sdelay $0x3  }
0x9d: {  	_ =	strace s5  }
0x9e: {  	_ =	strace $0x8FFFFFFF  }
0x9f: {  	s19 =	sld [smem:$0x3FDB];
	_ =	sdelay $0x1  }
0xa0: {  	s20 =	simm.s32 $_scs_section_size  }
0xa1: {  	s7 =	simm.s32 $_size__tile_overlayer_lowered;
	s8 =	simm.s32 $_tile_overlayer_lowered  }
0xa2: {  	s23 =	simm.s32 $0x1BFF;
	s22 =	sshll.u32 s8, $0x1;
	s5 =	sadd.s32 s20, s19  }
0xa3: {  	s9 =	simm.s32 $0x0;
	s21 =	sshll.u32 s7, $0x1;
	s7 =	sadd.s32 s22, s5  }
0xa4: {  	[timem:s9], [sflag:s23] =	dma.local [hbm:s7], s21  }
0xa5: {  	_ =	swait.ge [sflag:s23], s21  }
0xa6: {  	s6 =	ssub.s32 $0x0, s21;
	[sflag:s23] =	ssyncset.done $0x0  }
0xa7: {  	[sflag:s23] =	ssyncadd.s32 s6;
	_ =	sdelay $0x1  }
0xa8: {  	s24 =	simm.s32 $0x1B8B  }
0xa9: {  	_ =	swait.ge [sflag:s24], $0x1  }
0xaa: {  	[sflag:s24] =	ssyncset.done $0x0  }
0xab: {  	s25 =	simm.s32 $0x1B8E;
	[sflag:s24] =	ssyncadd.s32 $0xFFFFFFFF  }
0xac: {  	s26 =	simm.s32 $execute0_lowered;
	[smem:$0x3FD2] =	sst s25  }
0xad: {  	s6 =	sshll.u32 s26, $0x1;
	_ =	strace $0x80000046;
	[dreg:$0x1] =	wrdreg $0xFFFFFFFF  }
0xae: {  	s28 =	simm.s32 $_size_execute0_lowered;
	s5 =	sadd.s32 s5, s6;
	[dreg:$0x0] =	wrdreg $0x0  }
0xaf: {  	s6 =	sshll.u32 s28, $0x1;
	[dreg:$0x2] =	wrdreg s5  }
0xb0: {  	[dreg:$0x3] =	wrdreg s6  }
0xb1: {  	[dreg:$0x4] =	wrdreg $0xC0  }
0xb2: {  	_ =	task [dreg:s9], $0x5FFFF  }
0xb3: {  	[dreg:$0x1] =	wrdreg $0xFFFFFFFF  }
0xb4: {  	[dreg:$0x0] =	wrdreg $0x60  }
0xb5: {  	[dreg:$0x2] =	wrdreg s4  }
0xb6: {  	[dreg:$0x3] =	wrdreg s16  }
0xb7: {  	[dreg:$0x4] =	wrdreg s17  }
0xb8: {  	[dreg:$0x5] =	wrdreg $0x0  }
0xb9: {  	[dreg:$0x6] =	wrdreg $0x9  }
0xba: {  	_ =	task.clear_ibuf [dreg:s9], $0x7FFFF;
	_ =	strace $0x90000046  }
0xbb: {  	s29 =	simm.s32 $0x9;
	_ =	strace $0x80000048  }
0xbc: {  	_ =	swait.ge [sflag:s29], $0x1  }
0xbd: {  	[sflag:s29] =	ssyncadd.s32 $0xFFFFFFFF  }
0xbe: {  	_ =	strace $0x90000048  }
0xbf: {  	_ =	sfence  }
0xc0: {  	s30 =	sld [smem:$0x0];
	_ =	sdelay $0x2  }
0xc1: {  	s31 =	sshll.u32 s1, $0xD;
	s1 =	sshrl.u32 s1, $0x2  }
0xc2: {  	s3 =	sand.u32 $0x4000, s31;
	s1 =	sadd.s32 s1, s30  }
0xc3: {  	s0 =	sor.u32 s3, s0;
	s1 =	sshll.u32 s1, $0x11  }
0xc4: {  	s0 =	sor.u32 s1, s0  }
0xc5: {  	s0 =	sadd.s32 $0x8F2B, s0  }
0xc6: {  	[sflag:s0] =	ssyncadd.remote.s32 $0x1  }
0xc7: {  	_ =	sfence.sel $0xFFFF  }
0xc8: {  	[dreg:$0x0] =	wrdreg $0xFFFFFFFF;
	(pc) =	sbr.abs _section_cstart, $3  }
0xc9: {  	[dreg:$0x1] =	wrdreg $0xFFFFFFFF  }
0xca: {  	_ =	task.clear_ibuf [dreg:s9], $0x2FFFF;
	_ =	strace $0x9FFFFFFF  }
0xcb: {  	(tm) =	ssettm $0x7FFFFFFF  }
tec
execute0_lowered:
.L_overlay_start_1:
0x0: {  	(tag) =	ssettag $0x1  }
0x1: {  	s4 =	srdreg.scid;
	s5 =	stileid.u32  }
0x2: {  	s4 =	sand.u32 $0x1, s4;
	s6 =	sshll.u32 s5, $0x1  }
0x3: {  	s6 =	sor.u32 s4, s6  }
0x4: {  	s7 =	smul.u32 $0x32, s6;
	s8 =	sor.u32 $0x20, s6;
	s11 =	sor.u32 $0x40, s6  }
0x5: {  	s13 =	sor.u32 $0x60, s6;
	s14 =	sor.u32 $0x80, s6;
	s16 =	sor.u32 $0xA0, s6  }
0x6: {  	s17 =	sor.u32 $0xC0, s6;
	s19 =	sor.u32 $0xE0, s6;
	s6 =	smul.u32 $0x1900, s6  }
0x7: {  	s0 =	rddreg [dreg:$0x0];
	s10 =	smul.u32 $0x32, s8  }
0x8: {  	s3 =	rddreg [dreg:$0x1];
	s12 =	smul.u32 $0x32, s11  }
0x9: {  	s1 =	rddreg [dreg:$0x3];
	s23 =	smul.u32 $0x32, s13  }
0xa: {  	s24 =	rddreg [dreg:$0x4];
	s15 =	smul.u32 $0x32, s14  }
0xb: {  	[dreg:$0x5] =	wrdreg s0;
	s25 =	smul.u32 $0x32, s16  }
0xc: {  	s2 =	simm.s32 $0x0;
	s0 =	rddreg [dreg:$0x2];
	s18 =	smul.u32 $0x32, s17  }
0xd: {  	p2 =	por $0x0, $0x0;
	[smem:$0x7FF] =	sst s2;
	s26 =	smul.u32 $0x32, s19  }
0xe: {  	p0 =	sne.s32 s5, $0x0;
	p1 =	sgt.u32 s5, $0xC;
	s8 =	smul.u32 $0x1900, s8  }
0xf: {  	s5 =	simm.s32 $0x4;
	s4 =	ssub.s32 $0x2, s4;
	s11 =	smul.u32 $0x1900, s11  }
0x10: {  	_ =	strace $0x80000047;
	s9 =	sshrl.u32 s4, $0x1;
	s20 =	smul.u32 $0x1900, s14  }
0x11: {  	s31 =	rddreg [dreg:$0x5];
	s22 =	smul.u32 $0x1900, s16;
	s7 =	sadd.s32 s3, s7  }
0x12: {  	s16 =	simm.s32 $0x9F8;
	[dreg:$0x6] =	wrdreg s7;
	s10 =	sadd.s32 s3, s10  }
0x13: {  	s12 =	sadd.s32 s3, s12;
	s7 =	sadd.s32 s3, s23;
	s28 =	sadd.s32 s3, s15  }
0x14: {  	s30 =	sadd.s32 s3, s25;
	s15 =	smul.u32 $0x1900, s13;
	[dreg:$0x7] =	wrdreg s10  }
0x15: {  	s21 =	sadd.s32 s0, s8;
	s23 =	sadd.s32 s0, s11;
	[dreg:$0x8] =	wrdreg s12  }
0x16: {  	s25 =	smul.u32 $0x1900, s17;
	s29 =	sadd.s32 s0, s20;
	[dreg:$0x9] =	wrdreg s7  }
0x17: {  	s20 =	simm.s32 $0x3B8;
	s17 =	simm.s32 $0x868;
	[dreg:$0xa] =	wrdreg s28  }
0x18: {  	s13 =	simm.s32 $0xB88;
	s8 =	simm.s32 $0x1038;
	[dreg:$0xb] =	wrdreg s30  }
0x19: {  	s10 =	sadd.s32 s3, s18;
	s3 =	sadd.s32 s3, s26;
	s26 =	ssub.s32 s4, s9  }
0x1a: {  	s11 =	simm.s32 $0x2;
	[dreg:$0xf] =	wrdreg s21;
	s30 =	smax.u32 s26, $0x1  }
0x1b: {  	s18 =	sadd.s32 s0, s6;
	[dreg:$0x10] =	wrdreg s23;
	s23 =	sadd.s32 $0xFFFFFFFF, s30  }
0x1c: {  	s28 =	smul.u32 $0x1900, s19;
	s9 =	sadd.s32 s0, s22;
	p3 =	sne.s32 s23, $0x0  }
.Ltmp0:
0x1d: {  	s19 =	simm.s32 $0x548;
	[dreg:$0xc] =	wrdreg s10;
	(pc) =	sbr.rel @!p3 .LBB2_1-.Ltmp0, $4  }
0x1e: {  	s21 =	simm.s32 $0x1;
	s12 =	simm.s32 $0x190;
	[dreg:$0xd] =	wrdreg s3  }
0x1f: {  	s6 =	simm.s32 $0x3;
	s22 =	sshrl.u32 @!p0 s1, $0x3;
	[dreg:$0xe] =	wrdreg s18  }
0x20: {  	s14 =	sadd.s32 s0, s15;
	s7 =	sadd.s32 s0, s25;
	s18 =	simm.s32 $0x6D8  }
0x21: {  	s10 =	simm.s32 $0xD18;
	s15 =	simm.s32 $0xD838;
	s3 =	sadd.s32 s0, s28  }
0x22: {  	s0 =	simm.s32 @!p0 $0x1C05;
	s24 =	simm.s32 @!p0 $0x5  }
0x23: {  	[spmem:s22], [sflag:s0] =	dma.local @!p0 [hbm:s31], $0x770  }
0x24: {  	_ =	swait.ge @!p0 [sflag:s24], $0x770  }
0x25: {  	[sflag:s24] =	ssyncset.done @!p0 $0x0  }
0x26: {  	s26 =	rddreg [dreg:$0x6];
	[sflag:s24] =	ssyncadd.s32 @!p0 $0xFFFFF890  }
0x27: {  	[tilespmem:s20], [sflag:$0x1] =	stream.linear.gather [hbm4b:s26+s2], $0x190, $0x38;
	[tilespmem:$0x1A038] =	vst v63  }
0x28: {  	s25 =	rddreg [dreg:$0x7]  }
0x29: {  	[tilespmem:s19], [sflag:$0x1] =	stream.linear.gather [hbm4b:s25+s2], $0x190, $0x38;
	[tilespmem:$0x1A038] =	vst v63  }
0x2a: {  	s4 =	rddreg [dreg:$0x8]  }
0x2b: {  	[tilespmem:s18], [sflag:$0x1] =	stream.linear.gather [hbm4b:s4+s2], $0x190, $0x38;
	[tilespmem:$0x1A038] =	vst v63  }
0x2c: {  	s26 =	rddreg [dreg:$0x9]  }
0x2d: {  	[tilespmem:s17], [sflag:$0x1] =	stream.linear.gather [hbm4b:s26+s2], $0x190, $0x38;
	[tilespmem:$0x1A038] =	vst v63  }
0x2e: {  	s4 =	rddreg [dreg:$0xa]  }
0x2f: {  	[tilespmem:s16], [sflag:$0x1] =	stream.linear.gather [hbm4b:s4+s2], $0x190, $0x38;
	[tilespmem:$0x1A038] =	vst v63  }
0x30: {  	s26 =	rddreg [dreg:$0xb]  }
0x31: {  	[tilespmem:s13], [sflag:$0x1] =	stream.linear.gather [hbm4b:s26+s2], $0x190, $0x38;
	[tilespmem:$0x1A038] =	vst v63  }
0x32: {  	s4 =	rddreg [dreg:$0xc]  }
0x33: {  	[tilespmem:s10], [sflag:$0x1] =	stream.linear.gather [hbm4b:s4+s2], $0x190, $0x38;
	[tilespmem:$0x1A038] =	vst v63  }
0x34: {  	s28 =	rddreg [dreg:$0xd];
	s25 =	simm.s32 @!p1 $0xEA8;
	s4 =	simm.s32 @!p1 $0x0  }
0x35: {  	[tilespmem:s25], [sflag:$0x1] =	stream.linear.gather @!p1 [hbm4b:s28+s4], $0x190, $0x38;
	[tilespmem:$0x1A038] =	vst v63  }
0x36: {  	_ =	swait.ge [sflag:s21], $0x190  }
0x37: {  	[sflag:s21] =	ssyncset.done $0x0  }
0x38: {  	[sflag:s21] =	ssyncadd.s32 $0xFFFFFE70  }
0x39: {  	_ =	swait.ge [sflag:s21], $0x190  }
0x3a: {  	[sflag:s21] =	ssyncset.done $0x0  }
0x3b: {  	[sflag:s21] =	ssyncadd.s32 $0xFFFFFE70  }
0x3c: {  	_ =	swait.ge [sflag:s21], $0x190  }
0x3d: {  	[sflag:s21] =	ssyncset.done $0x0  }
0x3e: {  	[sflag:s21] =	ssyncadd.s32 $0xFFFFFE70  }
0x3f: {  	_ =	swait.ge [sflag:s21], $0x190  }
0x40: {  	[sflag:s21] =	ssyncset.done $0x0  }
0x41: {  	[sflag:s21] =	ssyncadd.s32 $0xFFFFFE70  }
0x42: {  	_ =	swait.ge [sflag:s21], $0x190  }
0x43: {  	[sflag:s21] =	ssyncset.done $0x0  }
0x44: {  	[sflag:s21] =	ssyncadd.s32 $0xFFFFFE70  }
0x45: {  	_ =	swait.ge [sflag:s21], $0x190  }
0x46: {  	[sflag:s21] =	ssyncset.done $0x0  }
0x47: {  	[sflag:s21] =	ssyncadd.s32 $0xFFFFFE70  }
0x48: {  	_ =	swait.ge [sflag:s21], $0x190  }
0x49: {  	[sflag:s21] =	ssyncset.done $0x0  }
0x4a: {  	s28 =	simm.s32 @!p1 $0x1;
	[sflag:s21] =	ssyncadd.s32 $0xFFFFFE70  }
0x4b: {  	_ =	swait.ge @!p1 [sflag:s28], $0x190  }
0x4c: {  	[sflag:s28] =	ssyncset.done @!p1 $0x0  }
0x4d: {  	[sflag:s28] =	ssyncadd.s32 @!p1 $0xFFFFFE70  }
0x4e: {  	[bflag:$0x0] =	sbarrier.arrive $0xFFFF  }
0x4f: {  	[tilespmem:s8], [sflag:$0x2] =	stream.indirect.gather [spmem:s1], $0x80, s20, s12, $0xb8;
	[tilespmem:$0x1A038] =	vst v63  }
0x50: {  	_ =	swait.ge [sflag:s11], $0xC800  }
0x51: {  	[sflag:s11] =	ssyncset.done $0x0  }
0x52: {  	s26 =	rddreg [dreg:$0xe];
	[sflag:s11] =	ssyncadd.s32 $0xFFFF3800  }
0x53: {  	[hbm4b:s26+s2] =	stream.linear.scatter [tilespmem:s8], [sflag:$0x3], $0xC800, $0x38;
	[tilespmem:$0x1A038] =	vst v63  }
0x54: {  	_ = 	snop  }
0x55: {  	[tilespmem:s15], [sflag:$0x2] =	stream.indirect.gather [spmem:s1], $0x80, s19, s12, $0xb8;
	[tilespmem:$0x1A038] =	vst v63  }
0x56: {  	_ =	swait.ge [sflag:s11], $0xC800  }
0x57: {  	[sflag:s11] =	ssyncset.done $0x0  }
0x58: {  	s20 =	rddreg [dreg:$0xf];
	[sflag:s11] =	ssyncadd.s32 $0xFFFF3800  }
0x59: {  	[hbm4b:s20+s2] =	stream.linear.scatter [tilespmem:s15], [sflag:$0x4], $0xC800, $0x38;
	[tilespmem:$0x1A038] =	vst v63  }
0x5a: {  	_ =	swait.ge [sflag:s6], $0xC800  }
0x5b: {  	[sflag:s6] =	ssyncset.done $0x0  }
0x5c: {  	[sflag:s6] =	ssyncadd.s32 $0xFFFF3800  }
0x5d: {  	[tilespmem:s8], [sflag:$0x2] =	stream.indirect.gather [spmem:s1], $0x80, s18, s12, $0xb8;
	[tilespmem:$0x1A038] =	vst v63  }
0x5e: {  	_ =	swait.ge [sflag:s11], $0xC800  }
0x5f: {  	[sflag:s11] =	ssyncset.done $0x0  }
0x60: {  	s26 =	rddreg [dreg:$0x10];
	[sflag:s11] =	ssyncadd.s32 $0xFFFF3800  }
0x61: {  	[hbm4b:s26+s2] =	stream.linear.scatter [tilespmem:s8], [sflag:$0x3], $0xC800, $0x38;
	[tilespmem:$0x1A038] =	vst v63  }
0x62: {  	_ =	swait.ge [sflag:s5], $0xC800  }
0x63: {  	[sflag:s5] =	ssyncset.done $0x0  }
0x64: {  	[sflag:s5] =	ssyncadd.s32 $0xFFFF3800  }
0x65: {  	[tilespmem:s15], [sflag:$0x2] =	stream.indirect.gather [spmem:s1], $0x80, s17, s12, $0xb8;
	[tilespmem:$0x1A038] =	vst v63  }
0x66: {  	_ =	swait.ge [sflag:s11], $0xC800  }
0x67: {  	[sflag:s11] =	ssyncset.done $0x0  }
0x68: {  	[sflag:s11] =	ssyncadd.s32 $0xFFFF3800  }
0x69: {  	[hbm4b:s14+s2] =	stream.linear.scatter [tilespmem:s15], [sflag:$0x4], $0xC800, $0x38;
	[tilespmem:$0x1A038] =	vst v63  }
0x6a: {  	_ =	swait.ge [sflag:s6], $0xC800  }
0x6b: {  	[sflag:s6] =	ssyncset.done $0x0  }
0x6c: {  	[sflag:s6] =	ssyncadd.s32 $0xFFFF3800  }
0x6d: {  	[tilespmem:s8], [sflag:$0x2] =	stream.indirect.gather [spmem:s1], $0x80, s16, s12, $0xb8;
	[tilespmem:$0x1A038] =	vst v63  }
0x6e: {  	_ =	swait.ge [sflag:s11], $0xC800  }
0x6f: {  	[sflag:s11] =	ssyncset.done $0x0  }
0x70: {  	[sflag:s11] =	ssyncadd.s32 $0xFFFF3800  }
0x71: {  	[hbm4b:s29+s2] =	stream.linear.scatter [tilespmem:s8], [sflag:$0x3], $0xC800, $0x38;
	[tilespmem:$0x1A038] =	vst v63  }
0x72: {  	_ =	swait.ge [sflag:s5], $0xC800  }
0x73: {  	[sflag:s5] =	ssyncset.done $0x0  }
0x74: {  	[sflag:s5] =	ssyncadd.s32 $0xFFFF3800  }
0x75: {  	[tilespmem:s15], [sflag:$0x2] =	stream.indirect.gather [spmem:s1], $0x80, s13, s12, $0xb8;
	[tilespmem:$0x1A038] =	vst v63  }
0x76: {  	_ =	swait.ge [sflag:s11], $0xC800  }
0x77: {  	[sflag:s11] =	ssyncset.done $0x0  }
0x78: {  	[sflag:s11] =	ssyncadd.s32 $0xFFFF3800  }
0x79: {  	[hbm4b:s9+s2] =	stream.linear.scatter [tilespmem:s15], [sflag:$0x4], $0xC800, $0x38;
	[tilespmem:$0x1A038] =	vst v63  }
0x7a: {  	_ =	swait.ge [sflag:s6], $0xC800  }
0x7b: {  	[sflag:s6] =	ssyncset.done $0x0  }
0x7c: {  	[sflag:s6] =	ssyncadd.s32 $0xFFFF3800  }
0x7d: {  	[tilespmem:s8], [sflag:$0x2] =	stream.indirect.gather [spmem:s1], $0x80, s10, s12, $0xb8;
	[tilespmem:$0x1A038] =	vst v63  }
0x7e: {  	_ =	swait.ge [sflag:s11], $0xC800  }
0x7f: {  	s10 =	smov.u32 s29;
	[sflag:s11] =	ssyncset.done $0x0  }
0x80: {  	s29 =	simm.s32 @!p1 $0x4;
	[dreg:$0x11] =	wrdreg s22;
	[sflag:s11] =	ssyncadd.s32 $0xFFFF3800  }
0x81: {  	[hbm4b:s7+s2] =	stream.linear.scatter [tilespmem:s8], [sflag:$0x3], $0xC800, $0x38;
	[tilespmem:$0x1A038] =	vst v63  }
0x82: {  	_ =	swait.ge @!p1 [sflag:s29], $0xC800  }
0x83: {  	s30 =	simm.s32 @!p1 $0x2;
	[sflag:s29] =	ssyncset.done @!p1 $0x0  }
0x84: {  	s0 =	simm.s32 @!p1 $0xD838;
	s26 =	simm.s32 @!p1 $0x190;
	[sflag:s29] =	ssyncadd.s32 @!p1 $0xFFFF3800  }
0x85: {  	[tilespmem:s0], [sflag:$0x2] =	stream.indirect.gather @!p1 [spmem:s1], $0x80, s25, s26, $0xb8;
	[tilespmem:$0x1A038] =	vst v63  }
0x86: {  	_ =	swait.ge @!p1 [sflag:s30], $0xC800  }
0x87: {  	s23 =	sadd.s32 $0xFFFFFFFF, s23;
	[sflag:s30] =	ssyncset.done @!p1 $0x0  }
0x88: {  	p3 =	sne.s32 s23, $0x0;
	[sflag:s30] =	ssyncadd.s32 @!p1 $0xFFFF3800  }
0x89: {  	[hbm4b:s3+s4] =	stream.linear.scatter @!p1 [tilespmem:s0], [sflag:$0x4], $0xC800, $0x38;
	[tilespmem:$0x1A038] =	vst v63  }
.Ltmp1:
0x8a: {  	p2 =	por $0x1, $0x1;
	_ =	swait.ge [sflag:s6], $0xC800;
	(pc) =	sbr.rel @!p3 .LBB2_3-.Ltmp1, $4  }
0x8b: {  	s19 =	simm.s32 $0x6D8;
	s20 =	simm.s32 $0x548;
	[sflag:s6] =	ssyncset.done $0x0  }
0x8c: {  	s18 =	simm.s32 $0x868;
	s17 =	simm.s32 $0x9F8;
	[sflag:s6] =	ssyncadd.s32 $0xFFFF3800  }
0x8d: {  	s16 =	simm.s32 $0xB88;
	s13 =	simm.s32 $0xD18;
	_ =	swait.ge [sflag:s5], $0xC800  }
0x8e: {  	s22 =	simm.s32 $0x3B8;
	s31 =	rddreg [dreg:$0x5];
	[sflag:s5] =	ssyncset.done $0x0  }
.LBB2_4:
0x8f: {  	[sflag:s5] =	ssyncadd.s32 $0xFFFF3800;
	s4 =	simm.s32 @!p0 $0x1C05;
	s25 =	rddreg [dreg:$0x11]  }
0x90: {  	[spmem:s25], [sflag:s4] =	dma.local @!p0 [hbm:s31], $0x770  }
0x91: {  	_ =	swait.ge @!p0 [sflag:s24], $0x770  }
0x92: {  	[sflag:s24] =	ssyncset.done @!p0 $0x0  }
0x93: {  	s31 =	rddreg [dreg:$0x6];
	[sflag:s24] =	ssyncadd.s32 @!p0 $0xFFFFF890  }
0x94: {  	[tilespmem:s22], [sflag:$0x1] =	stream.linear.gather [hbm4b:s31+s2], $0x190, $0x38;
	[tilespmem:$0x1A038] =	vst v63  }
0x95: {  	s25 =	rddreg [dreg:$0x7]  }
0x96: {  	[tilespmem:s20], [sflag:$0x1] =	stream.linear.gather [hbm4b:s25+s2], $0x190, $0x38;
	[tilespmem:$0x1A038] =	vst v63  }
0x97: {  	s31 =	rddreg [dreg:$0x8]  }
0x98: {  	[tilespmem:s19], [sflag:$0x1] =	stream.linear.gather [hbm4b:s31+s2], $0x190, $0x38;
	[tilespmem:$0x1A038] =	vst v63  }
0x99: {  	s26 =	rddreg [dreg:$0x9]  }
0x9a: {  	[tilespmem:s18], [sflag:$0x1] =	stream.linear.gather [hbm4b:s26+s2], $0x190, $0x38;
	[tilespmem:$0x1A038] =	vst v63  }
0x9b: {  	s31 =	rddreg [dreg:$0xa]  }
0x9c: {  	[tilespmem:s17], [sflag:$0x1] =	stream.linear.gather [hbm4b:s31+s2], $0x190, $0x38;
	[tilespmem:$0x1A038] =	vst v63  }
0x9d: {  	s25 =	rddreg [dreg:$0xb]  }
0x9e: {  	[tilespmem:s16], [sflag:$0x1] =	stream.linear.gather [hbm4b:s25+s2], $0x190, $0x38;
	[tilespmem:$0x1A038] =	vst v63  }
0x9f: {  	s4 =	smov.u32 s3;
	s31 =	rddreg [dreg:$0xc]  }
0xa0: {  	[tilespmem:s13], [sflag:$0x1] =	stream.linear.gather [hbm4b:s31+s2], $0x190, $0x38;
	[tilespmem:$0x1A038] =	vst v63  }
0xa1: {  	s3 =	rddreg [dreg:$0xd];
	s25 =	simm.s32 @!p1 $0xEA8;
	s31 =	simm.s32 @!p1 $0x0  }
0xa2: {  	[tilespmem:s25], [sflag:$0x1] =	stream.linear.gather @!p1 [hbm4b:s3+s31], $0x190, $0x38;
	[tilespmem:$0x1A038] =	vst v63  }
0xa3: {  	_ =	swait.ge [sflag:s21], $0x190  }
0xa4: {  	[sflag:s21] =	ssyncset.done $0x0  }
0xa5: {  	[sflag:s21] =	ssyncadd.s32 $0xFFFFFE70  }
0xa6: {  	_ =	swait.ge [sflag:s21], $0x190  }
0xa7: {  	[sflag:s21] =	ssyncset.done $0x0  }
0xa8: {  	[sflag:s21] =	ssyncadd.s32 $0xFFFFFE70  }
0xa9: {  	_ =	swait.ge [sflag:s21], $0x190  }
0xaa: {  	[sflag:s21] =	ssyncset.done $0x0  }
0xab: {  	[sflag:s21] =	ssyncadd.s32 $0xFFFFFE70  }
0xac: {  	_ =	swait.ge [sflag:s21], $0x190  }
0xad: {  	[sflag:s21] =	ssyncset.done $0x0  }
0xae: {  	[sflag:s21] =	ssyncadd.s32 $0xFFFFFE70  }
0xaf: {  	_ =	swait.ge [sflag:s21], $0x190  }
0xb0: {  	[sflag:s21] =	ssyncset.done $0x0  }
0xb1: {  	[sflag:s21] =	ssyncadd.s32 $0xFFFFFE70  }
0xb2: {  	_ =	swait.ge [sflag:s21], $0x190  }
0xb3: {  	[sflag:s21] =	ssyncset.done $0x0  }
0xb4: {  	[sflag:s21] =	ssyncadd.s32 $0xFFFFFE70  }
0xb5: {  	_ =	swait.ge [sflag:s21], $0x190  }
0xb6: {  	[sflag:s21] =	ssyncset.done $0x0  }
0xb7: {  	[sflag:s21] =	ssyncadd.s32 $0xFFFFFE70  }
0xb8: {  	_ =	swait.ge @!p1 [sflag:s28], $0x190  }
0xb9: {  	[sflag:s28] =	ssyncset.done @!p1 $0x0  }
0xba: {  	[sflag:s28] =	ssyncadd.s32 @!p1 $0xFFFFFE70  }
0xbb: {  	[bflag:$0x0] =	sbarrier.arrive $0xFFFF  }
0xbc: {  	[tilespmem:s8], [sflag:$0x2] =	stream.indirect.gather [spmem:s1], $0x80, s22, s12, $0xb8;
	[tilespmem:$0x1A038] =	vst v63  }
0xbd: {  	_ =	swait.ge [sflag:s11], $0xC800  }
0xbe: {  	[sflag:s11] =	ssyncset.done $0x0  }
0xbf: {  	s26 =	rddreg [dreg:$0xe];
	[sflag:s11] =	ssyncadd.s32 $0xFFFF3800  }
0xc0: {  	[hbm4b:s26+s2] =	stream.linear.scatter [tilespmem:s8], [sflag:$0x3], $0xC800, $0x38;
	[tilespmem:$0x1A038] =	vst v63  }
0xc1: {  	_ = 	snop  }
0xc2: {  	[tilespmem:s15], [sflag:$0x2] =	stream.indirect.gather [spmem:s1], $0x80, s20, s12, $0xb8;
	[tilespmem:$0x1A038] =	vst v63  }
0xc3: {  	_ =	swait.ge [sflag:s11], $0xC800  }
0xc4: {  	[sflag:s11] =	ssyncset.done $0x0  }
0xc5: {  	s26 =	rddreg [dreg:$0xf];
	[sflag:s11] =	ssyncadd.s32 $0xFFFF3800  }
0xc6: {  	[hbm4b:s26+s2] =	stream.linear.scatter [tilespmem:s15], [sflag:$0x4], $0xC800, $0x38;
	[tilespmem:$0x1A038] =	vst v63  }
0xc7: {  	_ =	swait.ge [sflag:s6], $0xC800  }
0xc8: {  	[sflag:s6] =	ssyncset.done $0x0  }
0xc9: {  	[sflag:s6] =	ssyncadd.s32 $0xFFFF3800  }
0xca: {  	[tilespmem:s8], [sflag:$0x2] =	stream.indirect.gather [spmem:s1], $0x80, s19, s12, $0xb8;
	[tilespmem:$0x1A038] =	vst v63  }
0xcb: {  	_ =	swait.ge [sflag:s11], $0xC800  }
0xcc: {  	[sflag:s11] =	ssyncset.done $0x0  }
0xcd: {  	s26 =	rddreg [dreg:$0x10];
	[sflag:s11] =	ssyncadd.s32 $0xFFFF3800  }
0xce: {  	[hbm4b:s26+s2] =	stream.linear.scatter [tilespmem:s8], [sflag:$0x3], $0xC800, $0x38;
	[tilespmem:$0x1A038] =	vst v63  }
0xcf: {  	_ =	swait.ge [sflag:s5], $0xC800  }
0xd0: {  	[sflag:s5] =	ssyncset.done $0x0  }
0xd1: {  	[sflag:s5] =	ssyncadd.s32 $0xFFFF3800  }
0xd2: {  	[tilespmem:s15], [sflag:$0x2] =	stream.indirect.gather [spmem:s1], $0x80, s18, s12, $0xb8;
	[tilespmem:$0x1A038] =	vst v63  }
0xd3: {  	_ =	swait.ge [sflag:s11], $0xC800  }
0xd4: {  	[sflag:s11] =	ssyncset.done $0x0  }
0xd5: {  	[sflag:s11] =	ssyncadd.s32 $0xFFFF3800  }
0xd6: {  	[hbm4b:s14+s2] =	stream.linear.scatter [tilespmem:s15], [sflag:$0x4], $0xC800, $0x38;
	[tilespmem:$0x1A038] =	vst v63  }
0xd7: {  	_ =	swait.ge [sflag:s6], $0xC800  }
0xd8: {  	[sflag:s6] =	ssyncset.done $0x0  }
0xd9: {  	[sflag:s6] =	ssyncadd.s32 $0xFFFF3800  }
0xda: {  	[tilespmem:s8], [sflag:$0x2] =	stream.indirect.gather [spmem:s1], $0x80, s17, s12, $0xb8;
	[tilespmem:$0x1A038] =	vst v63  }
0xdb: {  	_ =	swait.ge [sflag:s11], $0xC800  }
0xdc: {  	[sflag:s11] =	ssyncset.done $0x0  }
0xdd: {  	[sflag:s11] =	ssyncadd.s32 $0xFFFF3800  }
0xde: {  	[hbm4b:s10+s2] =	stream.linear.scatter [tilespmem:s8], [sflag:$0x3], $0xC800, $0x38;
	[tilespmem:$0x1A038] =	vst v63  }
0xdf: {  	_ =	swait.ge [sflag:s5], $0xC800  }
0xe0: {  	[sflag:s5] =	ssyncset.done $0x0  }
0xe1: {  	[sflag:s5] =	ssyncadd.s32 $0xFFFF3800  }
0xe2: {  	[tilespmem:s15], [sflag:$0x2] =	stream.indirect.gather [spmem:s1], $0x80, s16, s12, $0xb8;
	[tilespmem:$0x1A038] =	vst v63  }
0xe3: {  	_ =	swait.ge [sflag:s11], $0xC800  }
0xe4: {  	[sflag:s11] =	ssyncset.done $0x0  }
0xe5: {  	[sflag:s11] =	ssyncadd.s32 $0xFFFF3800  }
0xe6: {  	[hbm4b:s9+s2] =	stream.linear.scatter [tilespmem:s15], [sflag:$0x4], $0xC800, $0x38;
	[tilespmem:$0x1A038] =	vst v63  }
0xe7: {  	_ =	swait.ge [sflag:s6], $0xC800  }
0xe8: {  	[sflag:s6] =	ssyncset.done $0x0  }
0xe9: {  	[sflag:s6] =	ssyncadd.s32 $0xFFFF3800  }
0xea: {  	[tilespmem:s8], [sflag:$0x2] =	stream.indirect.gather [spmem:s1], $0x80, s13, s12, $0xb8;
	[tilespmem:$0x1A038] =	vst v63  }
0xeb: {  	_ =	swait.ge [sflag:s11], $0xC800  }
0xec: {  	[sflag:s11] =	ssyncset.done $0x0  }
0xed: {  	[sflag:s11] =	ssyncadd.s32 $0xFFFF3800  }
0xee: {  	[hbm4b:s7+s2] =	stream.linear.scatter [tilespmem:s8], [sflag:$0x3], $0xC800, $0x38;
	[tilespmem:$0x1A038] =	vst v63  }
0xef: {  	_ =	swait.ge @!p1 [sflag:s29], $0xC800  }
0xf0: {  	[sflag:s29] =	ssyncset.done @!p1 $0x0  }
0xf1: {  	s26 =	simm.s32 @!p1 $0x190;
	[sflag:s29] =	ssyncadd.s32 @!p1 $0xFFFF3800  }
0xf2: {  	[tilespmem:s0], [sflag:$0x2] =	stream.indirect.gather @!p1 [spmem:s1], $0x80, s25, s26, $0xb8;
	[tilespmem:$0x1A038] =	vst v63  }
0xf3: {  	_ =	swait.ge @!p1 [sflag:s30], $0xC800  }
0xf4: {  	s23 =	sadd.s32 $0xFFFFFFFF, s23;
	[sflag:s30] =	ssyncset.done @!p1 $0x0  }
0xf5: {  	p3 =	sne.s32 s23, $0x0;
	[sflag:s30] =	ssyncadd.s32 @!p1 $0xFFFF3800  }
0xf6: {  	[hbm4b:s4+s31] =	stream.linear.scatter @!p1 [tilespmem:s0], [sflag:$0x4], $0xC800, $0x38;
	[tilespmem:$0x1A038] =	vst v63  }
.Ltmp2:
0xf7: {  	_ =	swait.ge [sflag:s6], $0xC800;
	(pc) =	sbr.rel @p3 .LBB2_4-.Ltmp2, $4  }
0xf8: {  	[sflag:s6] =	ssyncset.done $0x0  }
0xf9: {  	[sflag:s6] =	ssyncadd.s32 $0xFFFF3800  }
0xfa: {  	_ =	swait.ge [sflag:s5], $0xC800  }
0xfb: {  	s3 =	smov.u32 s4;
	s31 =	rddreg [dreg:$0x5];
	[sflag:s5] =	ssyncset.done $0x0  }
0xfc: {  	s24 =	rddreg [dreg:$0x4]  }
0xfd: {  	s29 =	smov.u32 s10;
	s10 =	simm.s32 $0xD18;
	s13 =	simm.s32 $0xB88  }
0xfe: {  	s16 =	simm.s32 $0x9F8;
	s17 =	simm.s32 $0x868;
	s18 =	simm.s32 $0x6D8  }
0xff: {  	s19 =	simm.s32 $0x548;
	s20 =	simm.s32 $0x3B8;
	s22 =	rddreg [dreg:$0x11]  }
.LBB2_6:
0x100: {  	[sflag:s5] =	ssyncadd.s32 @p2 $0xFFFF3800;
	s0 =	simm.s32 @!p0 $0x1C05;
	s3 =	simm.s32 @!p0 $0x5  }
0x101: {  	[spmem:s22], [sflag:s0] =	dma.local @!p0 [hbm:s31], $0x770  }
0x102: {  	_ =	swait.ge @!p0 [sflag:s3], $0x770  }
0x103: {  	[sflag:s3] =	ssyncset.done @!p0 $0x0  }
0x104: {  	s28 =	rddreg [dreg:$0x6];
	[sflag:s3] =	ssyncadd.s32 @!p0 $0xFFFFF890  }
0x105: {  	[tilespmem:s20], [sflag:$0x1] =	stream.linear.gather [hbm4b:s28+s2], $0x190, $0x38;
	[tilespmem:$0x1A038] =	vst v63  }
0x106: {  	s30 =	rddreg [dreg:$0x7]  }
0x107: {  	[tilespmem:s19], [sflag:$0x1] =	stream.linear.gather [hbm4b:s30+s2], $0x190, $0x38;
	[tilespmem:$0x1A038] =	vst v63  }
0x108: {  	s31 =	rddreg [dreg:$0x8]  }
0x109: {  	[tilespmem:s18], [sflag:$0x1] =	stream.linear.gather [hbm4b:s31+s2], $0x190, $0x38;
	[tilespmem:$0x1A038] =	vst v63  }
0x10a: {  	s22 =	rddreg [dreg:$0x9]  }
0x10b: {  	[tilespmem:s17], [sflag:$0x1] =	stream.linear.gather [hbm4b:s22+s2], $0x190, $0x38;
	[tilespmem:$0x1A038] =	vst v63  }
0x10c: {  	s23 =	rddreg [dreg:$0xa]  }
0x10d: {  	[tilespmem:s16], [sflag:$0x1] =	stream.linear.gather [hbm4b:s23+s2], $0x190, $0x38;
	[tilespmem:$0x1A038] =	vst v63  }
0x10e: {  	s25 =	rddreg [dreg:$0xb]  }
0x10f: {  	[tilespmem:s13], [sflag:$0x1] =	stream.linear.gather [hbm4b:s25+s2], $0x190, $0x38;
	[tilespmem:$0x1A038] =	vst v63  }
0x110: {  	s26 =	rddreg [dreg:$0xc]  }
0x111: {  	[tilespmem:s10], [sflag:$0x1] =	stream.linear.gather [hbm4b:s26+s2], $0x190, $0x38;
	[tilespmem:$0x1A038] =	vst v63  }
0x112: {  	s0 =	simm.s32 @!p1 $0x0;
	s3 =	rddreg [dreg:$0xd];
	s22 =	simm.s32 @!p1 $0xEA8  }
0x113: {  	[tilespmem:s22], [sflag:$0x1] =	stream.linear.gather @!p1 [hbm4b:s3+s0], $0x190, $0x38;
	[tilespmem:$0x1A038] =	vst v63  }
0x114: {  	_ =	swait.ge [sflag:s21], $0x190  }
0x115: {  	[sflag:s21] =	ssyncset.done $0x0  }
0x116: {  	[sflag:s21] =	ssyncadd.s32 $0xFFFFFE70  }
0x117: {  	_ =	swait.ge [sflag:s21], $0x190  }
0x118: {  	[sflag:s21] =	ssyncset.done $0x0  }
0x119: {  	[sflag:s21] =	ssyncadd.s32 $0xFFFFFE70  }
0x11a: {  	_ =	swait.ge [sflag:s21], $0x190  }
0x11b: {  	[sflag:s21] =	ssyncset.done $0x0  }
0x11c: {  	[sflag:s21] =	ssyncadd.s32 $0xFFFFFE70  }
0x11d: {  	_ =	swait.ge [sflag:s21], $0x190  }
0x11e: {  	[sflag:s21] =	ssyncset.done $0x0  }
0x11f: {  	[sflag:s21] =	ssyncadd.s32 $0xFFFFFE70  }
0x120: {  	_ =	swait.ge [sflag:s21], $0x190  }
0x121: {  	[sflag:s21] =	ssyncset.done $0x0  }
0x122: {  	[sflag:s21] =	ssyncadd.s32 $0xFFFFFE70  }
0x123: {  	_ =	swait.ge [sflag:s21], $0x190  }
0x124: {  	[sflag:s21] =	ssyncset.done $0x0  }
0x125: {  	[sflag:s21] =	ssyncadd.s32 $0xFFFFFE70  }
0x126: {  	_ =	swait.ge [sflag:s21], $0x190  }
0x127: {  	[sflag:s21] =	ssyncset.done $0x0  }
0x128: {  	s3 =	simm.s32 @!p1 $0x1;
	[sflag:s21] =	ssyncadd.s32 $0xFFFFFE70  }
0x129: {  	_ =	swait.ge @!p1 [sflag:s3], $0x190  }
0x12a: {  	[sflag:s3] =	ssyncset.done @!p1 $0x0  }
0x12b: {  	[sflag:s3] =	ssyncadd.s32 @!p1 $0xFFFFFE70  }
0x12c: {  	[bflag:$0x0] =	sbarrier.arrive $0xFFFF  }
0x12d: {  	[tilespmem:s8], [sflag:$0x2] =	stream.indirect.gather [spmem:s1], $0x80, s20, s12, $0xb8;
	[tilespmem:$0x1A038] =	vst v63  }
0x12e: {  	_ =	swait.ge [sflag:s11], $0xC800  }
0x12f: {  	[sflag:s11] =	ssyncset.done $0x0  }
0x130: {  	s28 =	rddreg [dreg:$0xe];
	[sflag:s11] =	ssyncadd.s32 $0xFFFF3800  }
0x131: {  	[hbm4b:s28+s2] =	stream.linear.scatter [tilespmem:s8], [sflag:$0x3], $0xC800, $0x38;
	[tilespmem:$0x1A038] =	vst v63  }
0x132: {  	_ = 	snop  }
0x133: {  	[tilespmem:s15], [sflag:$0x2] =	stream.indirect.gather [spmem:s1], $0x80, s19, s12, $0xb8;
	[tilespmem:$0x1A038] =	vst v63  }
0x134: {  	_ =	swait.ge [sflag:s11], $0xC800  }
0x135: {  	[sflag:s11] =	ssyncset.done $0x0  }
0x136: {  	s30 =	rddreg [dreg:$0xf];
	[sflag:s11] =	ssyncadd.s32 $0xFFFF3800  }
0x137: {  	[hbm4b:s30+s2] =	stream.linear.scatter [tilespmem:s15], [sflag:$0x4], $0xC800, $0x38;
	[tilespmem:$0x1A038] =	vst v63  }
0x138: {  	_ =	swait.ge [sflag:s6], $0xC800  }
0x139: {  	[sflag:s6] =	ssyncset.done $0x0  }
0x13a: {  	[sflag:s6] =	ssyncadd.s32 $0xFFFF3800  }
0x13b: {  	[tilespmem:s8], [sflag:$0x2] =	stream.indirect.gather [spmem:s1], $0x80, s18, s12, $0xb8;
	[tilespmem:$0x1A038] =	vst v63  }
0x13c: {  	_ =	swait.ge [sflag:s11], $0xC800  }
0x13d: {  	[sflag:s11] =	ssyncset.done $0x0  }
0x13e: {  	s31 =	rddreg [dreg:$0x10];
	[sflag:s11] =	ssyncadd.s32 $0xFFFF3800  }
0x13f: {  	[hbm4b:s31+s2] =	stream.linear.scatter [tilespmem:s8], [sflag:$0x3], $0xC800, $0x38;
	[tilespmem:$0x1A038] =	vst v63  }
0x140: {  	_ =	swait.ge [sflag:s5], $0xC800  }
0x141: {  	[sflag:s5] =	ssyncset.done $0x0  }
0x142: {  	[sflag:s5] =	ssyncadd.s32 $0xFFFF3800  }
0x143: {  	[tilespmem:s15], [sflag:$0x2] =	stream.indirect.gather [spmem:s1], $0x80, s17, s12, $0xb8;
	[tilespmem:$0x1A038] =	vst v63  }
0x144: {  	_ =	swait.ge [sflag:s11], $0xC800  }
0x145: {  	[sflag:s11] =	ssyncset.done $0x0  }
0x146: {  	[sflag:s11] =	ssyncadd.s32 $0xFFFF3800  }
0x147: {  	[hbm4b:s14+s2] =	stream.linear.scatter [tilespmem:s15], [sflag:$0x4], $0xC800, $0x38;
	[tilespmem:$0x1A038] =	vst v63  }
0x148: {  	_ =	swait.ge [sflag:s6], $0xC800  }
0x149: {  	[sflag:s6] =	ssyncset.done $0x0  }
0x14a: {  	[sflag:s6] =	ssyncadd.s32 $0xFFFF3800  }
0x14b: {  	[tilespmem:s8], [sflag:$0x2] =	stream.indirect.gather [spmem:s1], $0x80, s16, s12, $0xb8;
	[tilespmem:$0x1A038] =	vst v63  }
0x14c: {  	_ =	swait.ge [sflag:s11], $0xC800  }
0x14d: {  	[sflag:s11] =	ssyncset.done $0x0  }
0x14e: {  	[sflag:s11] =	ssyncadd.s32 $0xFFFF3800  }
0x14f: {  	[hbm4b:s29+s2] =	stream.linear.scatter [tilespmem:s8], [sflag:$0x3], $0xC800, $0x38;
	[tilespmem:$0x1A038] =	vst v63  }
0x150: {  	_ =	swait.ge [sflag:s5], $0xC800  }
0x151: {  	[sflag:s5] =	ssyncset.done $0x0  }
0x152: {  	[sflag:s5] =	ssyncadd.s32 $0xFFFF3800  }
0x153: {  	[tilespmem:s15], [sflag:$0x2] =	stream.indirect.gather [spmem:s1], $0x80, s13, s12, $0xb8;
	[tilespmem:$0x1A038] =	vst v63  }
0x154: {  	_ =	swait.ge [sflag:s11], $0xC800  }
0x155: {  	[sflag:s11] =	ssyncset.done $0x0  }
0x156: {  	[sflag:s11] =	ssyncadd.s32 $0xFFFF3800  }
0x157: {  	[hbm4b:s9+s2] =	stream.linear.scatter [tilespmem:s15], [sflag:$0x4], $0xC800, $0x38;
	[tilespmem:$0x1A038] =	vst v63  }
0x158: {  	_ =	swait.ge [sflag:s6], $0xC800  }
0x159: {  	[sflag:s6] =	ssyncset.done $0x0  }
0x15a: {  	[sflag:s6] =	ssyncadd.s32 $0xFFFF3800  }
0x15b: {  	[tilespmem:s8], [sflag:$0x2] =	stream.indirect.gather [spmem:s1], $0x80, s10, s12, $0xb8;
	[tilespmem:$0x1A038] =	vst v63  }
0x15c: {  	_ =	swait.ge [sflag:s11], $0xC800  }
0x15d: {  	[sflag:s11] =	ssyncset.done $0x0  }
0x15e: {  	s3 =	simm.s32 @!p1 $0x4;
	[sflag:s11] =	ssyncadd.s32 $0xFFFF3800  }
0x15f: {  	[hbm4b:s7+s2] =	stream.linear.scatter [tilespmem:s8], [sflag:$0x3], $0xC800, $0x38;
	[tilespmem:$0x1A038] =	vst v63  }
0x160: {  	_ =	swait.ge @!p1 [sflag:s3], $0xC800  }
0x161: {  	s2 =	simm.s32 @!p1 $0x2;
	[sflag:s3] =	ssyncset.done @!p1 $0x0  }
0x162: {  	s7 =	simm.s32 @!p1 $0xD838;
	[sflag:s3] =	ssyncadd.s32 @!p1 $0xFFFF3800;
	s3 =	simm.s32 @!p1 $0x190  }
0x163: {  	[tilespmem:s7], [sflag:$0x2] =	stream.indirect.gather @!p1 [spmem:s1], $0x80, s22, s3, $0xb8;
	[tilespmem:$0x1A038] =	vst v63  }
0x164: {  	_ =	swait.ge @!p1 [sflag:s2], $0xC800  }
0x165: {  	[sflag:s2] =	ssyncset.done @!p1 $0x0  }
0x166: {  	[sflag:s2] =	ssyncadd.s32 @!p1 $0xFFFF3800  }
0x167: {  	[hbm4b:s4+s0] =	stream.linear.scatter @!p1 [tilespmem:s7], [sflag:$0x4], $0xC800, $0x38;
	[tilespmem:$0x1A038] =	vst v63  }
0x168: {  	_ =	swait.ge [sflag:s6], $0xC800  }
0x169: {  	[sflag:s6] =	ssyncset.done $0x0  }
0x16a: {  	[sflag:s6] =	ssyncadd.s32 $0xFFFF3800  }
0x16b: {  	_ =	swait.ge [sflag:s5], $0xC800  }
0x16c: {  	[sflag:s5] =	ssyncset.done $0x0  }
0x16d: {  	[sflag:s5] =	ssyncadd.s32 $0xFFFF3800  }
0x16e: {  	_ =	sfence.sel $0x180000  }
0x16f: {  	[bflag:$0x0] =	sbarrier.arrive $0xFFFF  }
0x170: {  	_ =	strace $0x90000047  }
0x171: {  	s0 =	sadd.s32 @!p0 $0x100000, s24;
	[bflag:$0x2] =	sbarrier.arrive $0xFFFF  }
0x172: {  	[sflag:s0] =	ssyncadd.tile.s32 @!p0 $0x1;
	_ =	shalt  }
.LBB2_1:
.Ltmp3:
0x173: {  	(pc) =	sbr.rel .LBB2_6-.Ltmp3, $2  }
0x174: {  	_ =	sdelay $0x2  }
0x175: {  	s4 =	smov.u32 s3  }
.LBB2_3:
.Ltmp4:
0x176: {  	(pc) =	sbr.rel .LBB2_6-.Ltmp4, $4  }
0x177: {  	s4 =	smov.u32 s3;
	s24 =	rddreg [dreg:$0x4]  }
0x178: {  	s29 =	smov.u32 s10;
	s10 =	simm.s32 $0xD18;
	s13 =	simm.s32 $0xB88  }
0x179: {  	s16 =	simm.s32 $0x9F8;
	s17 =	simm.s32 $0x868;
	s18 =	simm.s32 $0x6D8  }
0x17a: {  	s19 =	simm.s32 $0x548;
	s20 =	simm.s32 $0x3B8;
	s22 =	rddreg [dreg:$0x11]  }
.Lfunc_end2:
_tile_overlayer_lowered:
.L_overlay_start_2:
0x17b: {  	(tag) =	ssettag $0x2  }
0x17c: {  	s0 =	rddreg [dreg:$0x0];
	s2 =	stileid.u32  }
0x17d: {  	s1 =	rddreg [dreg:$0x1];
	p0 =	sne.s32 s2, $0x0  }
0x17e: {  	s3 =	rddreg [dreg:$0x2];
	[bflag:$0x3] =	sbarrier.arrive $0xFFFF;
	s2 =	simm.s32 @!p0 $0x1C05  }
0x17f: {  	[timem:s3], [sflag:s2] =	dma.local @!p0 [hbm:s0], s1  }
0x180: {  	s0 =	simm.s32 @!p0 $0x5  }
0x181: {  	_ =	swait.ge @!p0 [sflag:s0], s1  }
0x182: {  	s1 =	ssub.s32 @!p0 $0x0, s1;
	[sflag:s0] =	ssyncset.done @!p0 $0x0  }
0x183: {  	[sflag:s0] =	ssyncadd.s32 @!p0 s1  }
0x184: {  	[bflag:$0x3] =	sbarrier.arrive $0xFFFF  }
0x185: {  	_ =	shalt  }

</sc_bundles>
